<compile_context>
chip_gen: v7x
topology: tpu7x:2x2x1
jax: 0.10.2.dev20260603
libtpu: 0.0.44.dev20260713+nightly
codegen_flags: <defaults>
</compile_context>

<pallas_src>
import functools

import jax
import jax.numpy as jnp
from jax import lax
from jax.experimental import pallas as pl
from jax.experimental.pallas import tpu as pltpu
from jax.experimental.pallas import tpu_sc as plsc

N = 10000
E = 320000
D_IN = 128
H1 = 32
H2 = 16

NC = 2
NS = 16
NW = NC * NS

CHUNK = 128
NBUF = 8
CHUNKS = 80
GROUPS = CHUNKS // NBUF
E_PER_TILE = CHUNKS * CHUNK
E_PAD = NW * E_PER_TILE
N_PAD = 10112
ROWS_PER_TILE = N_PAD // NS


def _make_segsum(D: int):
  mesh = plsc.VectorSubcoreMesh(
      core_axis_name="c", subcore_axis_name="s", num_cores=NC, num_subcores=NS
  )

  @functools.partial(
      pl.kernel,
      out_type=jax.ShapeDtypeStruct((NC * N_PAD, D), jnp.float32),
      mesh=mesh,
      compiler_params=pltpu.CompilerParams(use_tc_tiling_on_sc=False),
      scratch_types=[
          pltpu.VMEM((CHUNKS, CHUNK), jnp.int32),
          pltpu.VMEM((CHUNKS, CHUNK), jnp.int32),
          pltpu.VMEM_SHARED((N_PAD, D), jnp.float32),
      ] + [pltpu.VMEM((CHUNK, D), jnp.float32) for _ in range(NBUF)]
        + [pltpu.SemaphoreType.DMA for _ in range(NBUF)],
  )
  def seg(h_hbm, src_hbm, dst_hbm, zeros_hbm, out_hbm,
          src_v, dst_v, acc_sh, *rows_and_sems):
    rows = rows_and_sems[:NBUF]
    sems = rows_and_sems[NBUF:]
    cid = lax.axis_index("c")
    sid = lax.axis_index("s")
    wid = sid * NC + cid
    r0 = sid * ROWS_PER_TILE
    pltpu.sync_copy(zeros_hbm.at[pl.ds(r0, ROWS_PER_TILE)],
                    acc_sh.at[pl.ds(r0, ROWS_PER_TILE)])
    pltpu.sync_copy(src_hbm.at[wid], src_v)
    pltpu.sync_copy(dst_hbm.at[wid], dst_v)
    plsc.subcore_barrier()

    for b in range(NBUF):
      pltpu.async_copy(h_hbm.at[src_v.at[b]], rows[b], sems[b])

    def group(g, carry):
      for b in range(NBUF):
        j = g * NBUF + b
        pltpu.make_async_copy(h_hbm.at[src_v.at[j]], rows[b], sems[b]).wait()
        pltpu.sync_copy(rows[b], acc_sh.at[dst_v.at[j]], add=True)

        @pl.when(g < GROUPS - 1)
        def _():
          pltpu.async_copy(h_hbm.at[src_v.at[j + NBUF]], rows[b], sems[b])

      return carry

    lax.fori_loop(0, GROUPS, group, 0)
    plsc.subcore_barrier()
    pltpu.sync_copy(acc_sh.at[pl.ds(r0, ROWS_PER_TILE)],
                    out_hbm.at[pl.ds(cid * N_PAD + r0, ROWS_PER_TILE)])

  return seg


_segsum32 = _make_segsum(H1)
_segsum16 = _make_segsum(H2)


def _mm1_body(x_ref, w_ref, o_ref):
  o_ref[...] = jnp.dot(x_ref[...], w_ref[...],
                       preferred_element_type=jnp.float32)


def _mm2_body(p0_ref, p1_ref, w_ref, o_ref):
  h = jnp.maximum(p0_ref[...] + p1_ref[...], 0.0)
  o_ref[...] = jnp.dot(h, w_ref[...], preferred_element_type=jnp.float32)


BM = 400


def _dec_body(q0b_ref, q1b_ref, q0f_ref, q1f_ref, o_ref):
  zi = q0b_ref[...] + q1b_ref[...]
  zf = q0f_ref[...] + q1f_ref[...]
  o_ref[...] = lax.dot_general(zi, zf, (((1,), (1,)), ((), ())),
                               preferred_element_type=jnp.float32)


def kernel(x, edge_index, W1, W2):
  ei = edge_index.astype(jnp.int32)
  pad = E_PAD - E
  src = jnp.concatenate([ei[0], jnp.zeros((pad,), jnp.int32)])
  dst = jnp.concatenate([ei[1], jnp.full((pad,), N, jnp.int32)])
  src3 = src.reshape(NW, CHUNKS, CHUNK)
  dst3 = dst.reshape(NW, CHUNKS, CHUNK)
  zeros32 = jnp.zeros((N_PAD, H1), jnp.float32)
  zeros16 = jnp.zeros((N_PAD, H2), jnp.float32)

  h = pl.pallas_call(
      _mm1_body,
      out_shape=jax.ShapeDtypeStruct((N, H1), jnp.float32),
  )(x, W1)

  p = _segsum32(h, src3, dst3, zeros32)
  p0 = p[:N]
  p1 = p[N_PAD:N_PAD + N]

  h2 = pl.pallas_call(
      _mm2_body,
      out_shape=jax.ShapeDtypeStruct((N, H2), jnp.float32),
  )(p0, p1, W2)

  q = _segsum16(h2, src3, dst3, zeros16)
  q0 = q[:N]
  q1 = q[N_PAD:N_PAD + N]

  recon = pl.pallas_call(
      _dec_body,
      grid=(N // BM,),
      in_specs=[
          pl.BlockSpec((BM, H2), lambda i: (i, 0)),
          pl.BlockSpec((BM, H2), lambda i: (i, 0)),
          pl.BlockSpec((N, H2), lambda i: (0, 0)),
          pl.BlockSpec((N, H2), lambda i: (0, 0)),
      ],
      out_specs=pl.BlockSpec((BM, N), lambda i: (i, 0)),
      out_shape=jax.ShapeDtypeStruct((N, N), jnp.float32),
      compiler_params=pltpu.CompilerParams(
          dimension_semantics=("parallel",)),
  )(q0, q1, q0, q1)

  return recon.reshape(-1)

# --- scband reference (transcript-rebuilt; emitter-appended) ---
"""Pipeline reference for scband-gcnmodel-ae-31439160606755 (READ-ONLY COPY).

The authoritative reference and input builder live on the scoring server;
editing this copy changes nothing except your own understanding.
"""

import jax, jax.numpy as jnp
import numpy as np

N_NODES = 10000
N_EDGES = 320000
D_IN = 128
H1 = 32
H2 = 16


def setup_inputs(seed: int = 0) -> dict:
    key = jax.random.key(seed)
    k1, k2, k3, k4 = jax.random.split(key, 4)
    x = jax.random.normal(k1, (N_NODES, D_IN), dtype=jnp.float32)
    edge_index = jax.random.randint(k2, (2, N_EDGES), 0, N_NODES, dtype=jnp.int64)
    # Glorot-ish scaled weights to keep activations well-conditioned
    W1 = jax.random.normal(k3, (D_IN, H1), dtype=jnp.float32) * (1.0 / np.sqrt(D_IN))
    W2 = jax.random.normal(k4, (H1, H2), dtype=jnp.float32) * (1.0 / np.sqrt(H1))
    return {"x": x, "edge_index": edge_index, "W1": W1, "W2": W2}


def reference(x, edge_index, W1, W2):
    # GCNModelAE forward (dropout=0 at inference):
    # hidden1 = relu(adj @ (x @ W1))   -- GraphConvolution layer 1
    # z_mean  = adj @ (hidden1 @ W2)   -- GraphConvolution layer 2 (identity act)
    # reconstructions = flatten(z @ z.T)  -- InnerProductDecoder (identity act)
    src = edge_index[0]
    dst = edge_index[1]
    n = x.shape[0]

    # Layer 1: sparse adj matmul realized as gather + scatter-add (segment_sum)
    h = x @ W1
    h = jax.ops.segment_sum(jnp.take(h, src, axis=0), dst, num_segments=n)
    hidden1 = jax.nn.relu(h)

    # Layer 2
    h2 = hidden1 @ W2
    z = jax.ops.segment_sum(jnp.take(h2, src, axis=0), dst, num_segments=n)

    # Inner product decoder: z @ z.T flattened, identity activation
    reconstructions = (z @ z.T).reshape(-1)
    return reconstructions

if __name__ == "__main__":
    import jax
    _d = setup_inputs()
    print(jax.jit(kernel)(*tuple(_d.values())))

</pallas_src>

<mosaic_0001>
#map = affine_map<(d0, d1) -> (0, 0)>
#map1 = affine_map<(d0, d1) -> (0, 0, 0)>
module attributes {stable_mosaic.version = 14 : i64} {
  func.func @seg(%arg0: i32, %arg1: i32, %arg2: memref<10000x16xf32, #tpu.memory_space<hbm>>, %arg3: memref<32x80x128xi32, #tpu.memory_space<hbm>>, %arg4: memref<32x80x128xi32, #tpu.memory_space<hbm>>, %arg5: memref<10112x16xf32, #tpu.memory_space<hbm>>, %arg6: memref<20224x16xf32, #tpu.memory_space<hbm>>, %arg7: memref<80x128xi32, #tpu.memory_space<vmem>>, %arg8: memref<80x128xi32, #tpu.memory_space<vmem>>, %arg9: memref<10112x16xf32, #tpu.memory_space<vmem_shared>>, %arg10: memref<128x16xf32, #tpu.memory_space<vmem>>, %arg11: memref<128x16xf32, #tpu.memory_space<vmem>>, %arg12: memref<128x16xf32, #tpu.memory_space<vmem>>, %arg13: memref<128x16xf32, #tpu.memory_space<vmem>>, %arg14: memref<128x16xf32, #tpu.memory_space<vmem>>, %arg15: memref<128x16xf32, #tpu.memory_space<vmem>>, %arg16: memref<128x16xf32, #tpu.memory_space<vmem>>, %arg17: memref<128x16xf32, #tpu.memory_space<vmem>>, %arg18: memref<!tpu.dma_semaphore, #tpu.memory_space<semaphore_mem>>, %arg19: memref<!tpu.dma_semaphore, #tpu.memory_space<semaphore_mem>>, %arg20: memref<!tpu.dma_semaphore, #tpu.memory_space<semaphore_mem>>, %arg21: memref<!tpu.dma_semaphore, #tpu.memory_space<semaphore_mem>>, %arg22: memref<!tpu.dma_semaphore, #tpu.memory_space<semaphore_mem>>, %arg23: memref<!tpu.dma_semaphore, #tpu.memory_space<semaphore_mem>>, %arg24: memref<!tpu.dma_semaphore, #tpu.memory_space<semaphore_mem>>, %arg25: memref<!tpu.dma_semaphore, #tpu.memory_space<semaphore_mem>>) attributes {dimension_semantics = [#tpu.dimension_semantics<core_parallel>, #tpu.dimension_semantics<subcore_parallel>], iteration_bounds = array<i64: 2, 16>, scalar_prefetch = 0 : i64, scratch_operands = 19 : i64, tpu.core_type = #tpu.core_type<sc_vector_subcore>, window_params = [{transform_indices = #map}, {transform_indices = #map1}, {transform_indices = #map1}, {transform_indices = #map}, {transform_indices = #map}]} {
    %mul3A = arith.constant 2 : i32
    %mul3A_0 = arith.muli %arg1, %mul3A : i32
    %add3A = arith.addi %mul3A_0, %arg0 : i32
    %mul3A_1 = arith.constant 632 : i32
    %mul3A_2 = arith.muli %arg1, %mul3A_1 : i32
    "tpu.region"() ({
      %run_scoped3A = tpu.sem_alloc : memref<!tpu.dma_semaphore, #tpu.memory_space<semaphore_mem>>
      %dma_start3A_67 = arith.constant 0 : i32
      %dma_start3A_68 = tpu.memref_slice %arg9[%mul3A_2, %dma_start3A_67] : memref<10112x16xf32, #tpu.memory_space<vmem_shared>> -> memref<632x16xf32, #tpu.memory_space<vmem_shared>>
      %dma_start3A_69 = arith.constant 0 : i32
      %dma_start3A_70 = tpu.memref_slice %arg5[%mul3A_2, %dma_start3A_69] : memref<10112x16xf32, #tpu.memory_space<hbm>> -> memref<632x16xf32, #tpu.memory_space<hbm>>
      tpu.enqueue_dma source(%dma_start3A_70 : memref<632x16xf32, #tpu.memory_space<hbm>>) target(%dma_start3A_68 : memref<632x16xf32, #tpu.memory_space<vmem_shared>>) target_semaphore(%run_scoped3A : memref<!tpu.dma_semaphore, #tpu.memory_space<semaphore_mem>>)
      %dma_wait3A = arith.constant 0 : i32
      %dma_wait3A_71 = tpu.memref_slice %arg9[%mul3A_2, %dma_wait3A] : memref<10112x16xf32, #tpu.memory_space<vmem_shared>> -> memref<632x16xf32, #tpu.memory_space<vmem_shared>>
      %dma_wait3A_72 = arith.constant 0 : i32
      %dma_wait3A_73 = tpu.memref_slice %arg5[%mul3A_2, %dma_wait3A_72] : memref<10112x16xf32, #tpu.memory_space<hbm>> -> memref<632x16xf32, #tpu.memory_space<hbm>>
      tpu.wait_dma2 semaphore(%run_scoped3A : memref<!tpu.dma_semaphore, #tpu.memory_space<semaphore_mem>>) src(%dma_wait3A_73 : memref<632x16xf32, #tpu.memory_space<hbm>>) dst(%dma_wait3A_71 : memref<632x16xf32, #tpu.memory_space<vmem_shared>>)
      tpu.yield
    }) : () -> ()
    "tpu.region"() ({
      %run_scoped3A = tpu.sem_alloc : memref<!tpu.dma_semaphore, #tpu.memory_space<semaphore_mem>>
      %dma_start3A_67 = arith.constant 0 : i32
      %dma_start3A_68 = arith.constant 0 : i32
      %dma_start3A_69 = tpu.memref_slice %arg3[%add3A, %dma_start3A_67, %dma_start3A_68] : memref<32x80x128xi32, #tpu.memory_space<hbm>> -> memref<1x80x128xi32, #tpu.memory_space<hbm>>
      %dma_start3A_70 = tpu.memref_squeeze %dma_start3A_69 : memref<1x80x128xi32, #tpu.memory_space<hbm>> -> memref<80x128xi32, #tpu.memory_space<hbm>>
      %dma_start3A_71 = arith.constant 0 : i32
      %dma_start3A_72 = arith.constant 0 : i32
      %dma_start3A_73 = tpu.memref_slice %arg3[%add3A, %dma_start3A_71, %dma_start3A_72] : memref<32x80x128xi32, #tpu.memory_space<hbm>> -> memref<1x80x128xi32, #tpu.memory_space<hbm>>
      %dma_start3A_74 = tpu.memref_squeeze %dma_start3A_73 : memref<1x80x128xi32, #tpu.memory_space<hbm>> -> memref<80x128xi32, #tpu.memory_space<hbm>>
      tpu.enqueue_dma source(%dma_start3A_74 : memref<80x128xi32, #tpu.memory_space<hbm>>) target(%arg7 : memref<80x128xi32, #tpu.memory_space<vmem>>) target_semaphore(%run_scoped3A : memref<!tpu.dma_semaphore, #tpu.memory_space<semaphore_mem>>)
      %dma_wait3A = arith.constant 0 : i32
      %dma_wait3A_75 = arith.constant 0 : i32
      %dma_wait3A_76 = tpu.memref_slice %arg3[%add3A, %dma_wait3A, %dma_wait3A_75] : memref<32x80x128xi32, #tpu.memory_space<hbm>> -> memref<1x80x128xi32, #tpu.memory_space<hbm>>
      %dma_wait3A_77 = tpu.memref_squeeze %dma_wait3A_76 : memref<1x80x128xi32, #tpu.memory_space<hbm>> -> memref<80x128xi32, #tpu.memory_space<hbm>>
      %dma_wait3A_78 = arith.constant 0 : i32
      %dma_wait3A_79 = arith.constant 0 : i32
      %dma_wait3A_80 = tpu.memref_slice %arg3[%add3A, %dma_wait3A_78, %dma_wait3A_79] : memref<32x80x128xi32, #tpu.memory_space<hbm>> -> memref<1x80x128xi32, #tpu.memory_space<hbm>>
      %dma_wait3A_81 = tpu.memref_squeeze %dma_wait3A_80 : memref<1x80x128xi32, #tpu.memory_space<hbm>> -> memref<80x128xi32, #tpu.memory_space<hbm>>
      tpu.wait_dma2 semaphore(%run_scoped3A : memref<!tpu.dma_semaphore, #tpu.memory_space<semaphore_mem>>) src(%dma_wait3A_81 : memref<80x128xi32, #tpu.memory_space<hbm>>) dst(%arg7 : memref<80x128xi32, #tpu.memory_space<vmem>>)
      tpu.yield
    }) : () -> ()
    "tpu.region"() ({
      %run_scoped3A = tpu.sem_alloc : memref<!tpu.dma_semaphore, #tpu.memory_space<semaphore_mem>>
      %dma_start3A_67 = arith.constant 0 : i32
      %dma_start3A_68 = arith.constant 0 : i32
      %dma_start3A_69 = tpu.memref_slice %arg4[%add3A, %dma_start3A_67, %dma_start3A_68] : memref<32x80x128xi32, #tpu.memory_space<hbm>> -> memref<1x80x128xi32, #tpu.memory_space<hbm>>
      %dma_start3A_70 = tpu.memref_squeeze %dma_start3A_69 : memref<1x80x128xi32, #tpu.memory_space<hbm>> -> memref<80x128xi32, #tpu.memory_space<hbm>>
      %dma_start3A_71 = arith.constant 0 : i32
      %dma_start3A_72 = arith.constant 0 : i32
      %dma_start3A_73 = tpu.memref_slice %arg4[%add3A, %dma_start3A_71, %dma_start3A_72] : memref<32x80x128xi32, #tpu.memory_space<hbm>> -> memref<1x80x128xi32, #tpu.memory_space<hbm>>
      %dma_start3A_74 = tpu.memref_squeeze %dma_start3A_73 : memref<1x80x128xi32, #tpu.memory_space<hbm>> -> memref<80x128xi32, #tpu.memory_space<hbm>>
      tpu.enqueue_dma source(%dma_start3A_74 : memref<80x128xi32, #tpu.memory_space<hbm>>) target(%arg8 : memref<80x128xi32, #tpu.memory_space<vmem>>) target_semaphore(%run_scoped3A : memref<!tpu.dma_semaphore, #tpu.memory_space<semaphore_mem>>)
      %dma_wait3A = arith.constant 0 : i32
      %dma_wait3A_75 = arith.constant 0 : i32
      %dma_wait3A_76 = tpu.memref_slice %arg4[%add3A, %dma_wait3A, %dma_wait3A_75] : memref<32x80x128xi32, #tpu.memory_space<hbm>> -> memref<1x80x128xi32, #tpu.memory_space<hbm>>
      %dma_wait3A_77 = tpu.memref_squeeze %dma_wait3A_76 : memref<1x80x128xi32, #tpu.memory_space<hbm>> -> memref<80x128xi32, #tpu.memory_space<hbm>>
      %dma_wait3A_78 = arith.constant 0 : i32
      %dma_wait3A_79 = arith.constant 0 : i32
      %dma_wait3A_80 = tpu.memref_slice %arg4[%add3A, %dma_wait3A_78, %dma_wait3A_79] : memref<32x80x128xi32, #tpu.memory_space<hbm>> -> memref<1x80x128xi32, #tpu.memory_space<hbm>>
      %dma_wait3A_81 = tpu.memref_squeeze %dma_wait3A_80 : memref<1x80x128xi32, #tpu.memory_space<hbm>> -> memref<80x128xi32, #tpu.memory_space<hbm>>
      tpu.wait_dma2 semaphore(%run_scoped3A : memref<!tpu.dma_semaphore, #tpu.memory_space<semaphore_mem>>) src(%dma_wait3A_81 : memref<80x128xi32, #tpu.memory_space<hbm>>) dst(%arg8 : memref<80x128xi32, #tpu.memory_space<vmem>>)
      tpu.yield
    }) : () -> ()
    %barrier3A = arith.constant 0 : index
    tpu.barrier barrier_id(%barrier3A)
    %dma_start3A = arith.constant 0 : i32
    %dma_start3A_3 = arith.constant 0 : i32
    %dma_start3A_4 = tpu.memref_slice %arg7[%dma_start3A, %dma_start3A_3] : memref<80x128xi32, #tpu.memory_space<vmem>> -> memref<1x128xi32, #tpu.memory_space<vmem>>
    %dma_start3A_5 = tpu.memref_squeeze %dma_start3A_4 : memref<1x128xi32, #tpu.memory_space<vmem>> -> memref<128xi32, #tpu.memory_space<vmem>>
    %dma_start3A_6 = arith.constant 0 : i32
    %dma_start3A_7 = arith.constant 0 : i32
    %dma_start3A_8 = tpu.memref_slice %arg2[%dma_start3A_6, %dma_start3A_7] : memref<10000x16xf32, #tpu.memory_space<hbm>> -> memref<10000x16xf32, #tpu.memory_space<hbm>>
    tpu.enqueue_indirect_dma source(%dma_start3A_8 : memref<10000x16xf32, #tpu.memory_space<hbm>>) target(%arg10 : memref<128x16xf32, #tpu.memory_space<vmem>>) offsets(%dma_start3A_5 : memref<128xi32, #tpu.memory_space<vmem>>) semaphore(%arg18 : memref<!tpu.dma_semaphore, #tpu.memory_space<semaphore_mem>>)
    %dma_start3A_9 = arith.constant 1 : i32
    %dma_start3A_10 = arith.constant 0 : i32
    %dma_start3A_11 = tpu.memref_slice %arg7[%dma_start3A_9, %dma_start3A_10] : memref<80x128xi32, #tpu.memory_space<vmem>> -> memref<1x128xi32, #tpu.memory_space<vmem>>
    %dma_start3A_12 = tpu.memref_squeeze %dma_start3A_11 : memref<1x128xi32, #tpu.memory_space<vmem>> -> memref<128xi32, #tpu.memory_space<vmem>>
    %dma_start3A_13 = arith.constant 0 : i32
    %dma_start3A_14 = arith.constant 0 : i32
    %dma_start3A_15 = tpu.memref_slice %arg2[%dma_start3A_13, %dma_start3A_14] : memref<10000x16xf32, #tpu.memory_space<hbm>> -> memref<10000x16xf32, #tpu.memory_space<hbm>>
    tpu.enqueue_indirect_dma source(%dma_start3A_15 : memref<10000x16xf32, #tpu.memory_space<hbm>>) target(%arg11 : memref<128x16xf32, #tpu.memory_space<vmem>>) offsets(%dma_start3A_12 : memref<128xi32, #tpu.memory_space<vmem>>) semaphore(%arg19 : memref<!tpu.dma_semaphore, #tpu.memory_space<semaphore_mem>>)
    %dma_start3A_16 = arith.constant 2 : i32
    %dma_start3A_17 = arith.constant 0 : i32
    %dma_start3A_18 = tpu.memref_slice %arg7[%dma_start3A_16, %dma_start3A_17] : memref<80x128xi32, #tpu.memory_space<vmem>> -> memref<1x128xi32, #tpu.memory_space<vmem>>
    %dma_start3A_19 = tpu.memref_squeeze %dma_start3A_18 : memref<1x128xi32, #tpu.memory_space<vmem>> -> memref<128xi32, #tpu.memory_space<vmem>>
    %dma_start3A_20 = arith.constant 0 : i32
    %dma_start3A_21 = arith.constant 0 : i32
    %dma_start3A_22 = tpu.memref_slice %arg2[%dma_start3A_20, %dma_start3A_21] : memref<10000x16xf32, #tpu.memory_space<hbm>> -> memref<10000x16xf32, #tpu.memory_space<hbm>>
    tpu.enqueue_indirect_dma source(%dma_start3A_22 : memref<10000x16xf32, #tpu.memory_space<hbm>>) target(%arg12 : memref<128x16xf32, #tpu.memory_space<vmem>>) offsets(%dma_start3A_19 : memref<128xi32, #tpu.memory_space<vmem>>) semaphore(%arg20 : memref<!tpu.dma_semaphore, #tpu.memory_space<semaphore_mem>>)
    %dma_start3A_23 = arith.constant 3 : i32
    %dma_start3A_24 = arith.constant 0 : i32
    %dma_start3A_25 = tpu.memref_slice %arg7[%dma_start3A_23, %dma_start3A_24] : memref<80x128xi32, #tpu.memory_space<vmem>> -> memref<1x128xi32, #tpu.memory_space<vmem>>
    %dma_start3A_26 = tpu.memref_squeeze %dma_start3A_25 : memref<1x128xi32, #tpu.memory_space<vmem>> -> memref<128xi32, #tpu.memory_space<vmem>>
    %dma_start3A_27 = arith.constant 0 : i32
    %dma_start3A_28 = arith.constant 0 : i32
    %dma_start3A_29 = tpu.memref_slice %arg2[%dma_start3A_27, %dma_start3A_28] : memref<10000x16xf32, #tpu.memory_space<hbm>> -> memref<10000x16xf32, #tpu.memory_space<hbm>>
    tpu.enqueue_indirect_dma source(%dma_start3A_29 : memref<10000x16xf32, #tpu.memory_space<hbm>>) target(%arg13 : memref<128x16xf32, #tpu.memory_space<vmem>>) offsets(%dma_start3A_26 : memref<128xi32, #tpu.memory_space<vmem>>) semaphore(%arg21 : memref<!tpu.dma_semaphore, #tpu.memory_space<semaphore_mem>>)
    %dma_start3A_30 = arith.constant 4 : i32
    %dma_start3A_31 = arith.constant 0 : i32
    %dma_start3A_32 = tpu.memref_slice %arg7[%dma_start3A_30, %dma_start3A_31] : memref<80x128xi32, #tpu.memory_space<vmem>> -> memref<1x128xi32, #tpu.memory_space<vmem>>
    %dma_start3A_33 = tpu.memref_squeeze %dma_start3A_32 : memref<1x128xi32, #tpu.memory_space<vmem>> -> memref<128xi32, #tpu.memory_space<vmem>>
    %dma_start3A_34 = arith.constant 0 : i32
    %dma_start3A_35 = arith.constant 0 : i32
    %dma_start3A_36 = tpu.memref_slice %arg2[%dma_start3A_34, %dma_start3A_35] : memref<10000x16xf32, #tpu.memory_space<hbm>> -> memref<10000x16xf32, #tpu.memory_space<hbm>>
    tpu.enqueue_indirect_dma source(%dma_start3A_36 : memref<10000x16xf32, #tpu.memory_space<hbm>>) target(%arg14 : memref<128x16xf32, #tpu.memory_space<vmem>>) offsets(%dma_start3A_33 : memref<128xi32, #tpu.memory_space<vmem>>) semaphore(%arg22 : memref<!tpu.dma_semaphore, #tpu.memory_space<semaphore_mem>>)
    %dma_start3A_37 = arith.constant 5 : i32
    %dma_start3A_38 = arith.constant 0 : i32
    %dma_start3A_39 = tpu.memref_slice %arg7[%dma_start3A_37, %dma_start3A_38] : memref<80x128xi32, #tpu.memory_space<vmem>> -> memref<1x128xi32, #tpu.memory_space<vmem>>
    %dma_start3A_40 = tpu.memref_squeeze %dma_start3A_39 : memref<1x128xi32, #tpu.memory_space<vmem>> -> memref<128xi32, #tpu.memory_space<vmem>>
    %dma_start3A_41 = arith.constant 0 : i32
    %dma_start3A_42 = arith.constant 0 : i32
    %dma_start3A_43 = tpu.memref_slice %arg2[%dma_start3A_41, %dma_start3A_42] : memref<10000x16xf32, #tpu.memory_space<hbm>> -> memref<10000x16xf32, #tpu.memory_space<hbm>>
    tpu.enqueue_indirect_dma source(%dma_start3A_43 : memref<10000x16xf32, #tpu.memory_space<hbm>>) target(%arg15 : memref<128x16xf32, #tpu.memory_space<vmem>>) offsets(%dma_start3A_40 : memref<128xi32, #tpu.memory_space<vmem>>) semaphore(%arg23 : memref<!tpu.dma_semaphore, #tpu.memory_space<semaphore_mem>>)
    %dma_start3A_44 = arith.constant 6 : i32
    %dma_start3A_45 = arith.constant 0 : i32
    %dma_start3A_46 = tpu.memref_slice %arg7[%dma_start3A_44, %dma_start3A_45] : memref<80x128xi32, #tpu.memory_space<vmem>> -> memref<1x128xi32, #tpu.memory_space<vmem>>
    %dma_start3A_47 = tpu.memref_squeeze %dma_start3A_46 : memref<1x128xi32, #tpu.memory_space<vmem>> -> memref<128xi32, #tpu.memory_space<vmem>>
    %dma_start3A_48 = arith.constant 0 : i32
    %dma_start3A_49 = arith.constant 0 : i32
    %dma_start3A_50 = tpu.memref_slice %arg2[%dma_start3A_48, %dma_start3A_49] : memref<10000x16xf32, #tpu.memory_space<hbm>> -> memref<10000x16xf32, #tpu.memory_space<hbm>>
    tpu.enqueue_indirect_dma source(%dma_start3A_50 : memref<10000x16xf32, #tpu.memory_space<hbm>>) target(%arg16 : memref<128x16xf32, #tpu.memory_space<vmem>>) offsets(%dma_start3A_47 : memref<128xi32, #tpu.memory_space<vmem>>) semaphore(%arg24 : memref<!tpu.dma_semaphore, #tpu.memory_space<semaphore_mem>>)
    %dma_start3A_51 = arith.constant 7 : i32
    %dma_start3A_52 = arith.constant 0 : i32
    %dma_start3A_53 = tpu.memref_slice %arg7[%dma_start3A_51, %dma_start3A_52] : memref<80x128xi32, #tpu.memory_space<vmem>> -> memref<1x128xi32, #tpu.memory_space<vmem>>
    %dma_start3A_54 = tpu.memref_squeeze %dma_start3A_53 : memref<1x128xi32, #tpu.memory_space<vmem>> -> memref<128xi32, #tpu.memory_space<vmem>>
    %dma_start3A_55 = arith.constant 0 : i32
    %dma_start3A_56 = arith.constant 0 : i32
    %dma_start3A_57 = tpu.memref_slice %arg2[%dma_start3A_55, %dma_start3A_56] : memref<10000x16xf32, #tpu.memory_space<hbm>> -> memref<10000x16xf32, #tpu.memory_space<hbm>>
    tpu.enqueue_indirect_dma source(%dma_start3A_57 : memref<10000x16xf32, #tpu.memory_space<hbm>>) target(%arg17 : memref<128x16xf32, #tpu.memory_space<vmem>>) offsets(%dma_start3A_54 : memref<128xi32, #tpu.memory_space<vmem>>) semaphore(%arg25 : memref<!tpu.dma_semaphore, #tpu.memory_space<semaphore_mem>>)
    %scan3A = arith.constant 0 : i32
    %scan3A_58 = arith.constant 0 : i32
    %scan3A_59 = arith.constant 10 : i32
    %scan3A_60 = arith.addi %scan3A_58, %scan3A_59 : i32
    %scan3A_61 = arith.constant 1 : i32
    scf.for %scan3A_67 = %scan3A_58 to %scan3A_60 step %scan3A_61  : i32 {
      %mul3A_68 = arith.constant 8 : i32
      %mul3A_69 = arith.muli %scan3A_67, %mul3A_68 : i32
      %add3A_70 = arith.constant 0 : i32
      %add3A_71 = arith.addi %mul3A_69, %add3A_70 : i32
      %dma_wait3A = arith.constant 0 : i32
      %dma_wait3A_72 = tpu.memref_slice %arg7[%add3A_71, %dma_wait3A] : memref<80x128xi32, #tpu.memory_space<vmem>> -> memref<1x128xi32, #tpu.memory_space<vmem>>
      %dma_wait3A_73 = tpu.memref_squeeze %dma_wait3A_72 : memref<1x128xi32, #tpu.memory_space<vmem>> -> memref<128xi32, #tpu.memory_space<vmem>>
      %dma_wait3A_74 = arith.constant 0 : i32
      %dma_wait3A_75 = arith.constant 0 : i32
      %dma_wait3A_76 = tpu.memref_slice %arg2[%dma_wait3A_74, %dma_wait3A_75] : memref<10000x16xf32, #tpu.memory_space<hbm>> -> memref<10000x16xf32, #tpu.memory_space<hbm>>
      tpu.wait_indirect_dma semaphore(%arg18 : memref<!tpu.dma_semaphore, #tpu.memory_space<semaphore_mem>>) src(%dma_wait3A_76 : memref<10000x16xf32, #tpu.memory_space<hbm>>) dst(%arg10 : memref<128x16xf32, #tpu.memory_space<vmem>>)
      "tpu.region"() ({
        %run_scoped3A = tpu.sem_alloc : memref<!tpu.dma_semaphore, #tpu.memory_space<semaphore_mem>>
        %dma_start3A_184 = arith.constant 0 : i32
        %dma_start3A_185 = tpu.memref_slice %arg8[%add3A_71, %dma_start3A_184] : memref<80x128xi32, #tpu.memory_space<vmem>> -> memref<1x128xi32, #tpu.memory_space<vmem>>
        %dma_start3A_186 = tpu.memref_squeeze %dma_start3A_185 : memref<1x128xi32, #tpu.memory_space<vmem>> -> memref<128xi32, #tpu.memory_space<vmem>>
        %dma_start3A_187 = arith.constant 0 : i32
        %dma_start3A_188 = arith.constant 0 : i32
        %dma_start3A_189 = tpu.memref_slice %arg9[%dma_start3A_187, %dma_start3A_188] : memref<10112x16xf32, #tpu.memory_space<vmem_shared>> -> memref<10112x16xf32, #tpu.memory_space<vmem_shared>>
        tpu.enqueue_indirect_dma source(%arg10 : memref<128x16xf32, #tpu.memory_space<vmem>>) target(%dma_start3A_189 : memref<10112x16xf32, #tpu.memory_space<vmem_shared>>) offsets(%dma_start3A_186 : memref<128xi32, #tpu.memory_space<vmem>>) semaphore(%run_scoped3A : memref<!tpu.dma_semaphore, #tpu.memory_space<semaphore_mem>>) {add = true}
        %dma_wait3A_190 = arith.constant 0 : i32
        %dma_wait3A_191 = tpu.memref_slice %arg8[%add3A_71, %dma_wait3A_190] : memref<80x128xi32, #tpu.memory_space<vmem>> -> memref<1x128xi32, #tpu.memory_space<vmem>>
        %dma_wait3A_192 = tpu.memref_squeeze %dma_wait3A_191 : memref<1x128xi32, #tpu.memory_space<vmem>> -> memref<128xi32, #tpu.memory_space<vmem>>
        %dma_wait3A_193 = arith.constant 0 : i32
        %dma_wait3A_194 = arith.constant 0 : i32
        %dma_wait3A_195 = tpu.memref_slice %arg9[%dma_wait3A_193, %dma_wait3A_194] : memref<10112x16xf32, #tpu.memory_space<vmem_shared>> -> memref<10112x16xf32, #tpu.memory_space<vmem_shared>>
        tpu.wait_indirect_dma semaphore(%run_scoped3A : memref<!tpu.dma_semaphore, #tpu.memory_space<semaphore_mem>>) src(%arg10 : memref<128x16xf32, #tpu.memory_space<vmem>>) dst(%dma_wait3A_195 : memref<10112x16xf32, #tpu.memory_space<vmem_shared>>)
        tpu.yield
      }) : () -> ()
      %lt3A = arith.constant 9 : i32
      %lt3A_77 = arith.cmpi slt, %scan3A_67, %lt3A : i32
      %convert_element_type3A = arith.extui %lt3A_77 : i1 to i32
      %cond3A = arith.constant 0 : i32
      %cond3A_78 = arith.cmpi ne, %convert_element_type3A, %cond3A : i32
      scf.if %cond3A_78 {
        %add3A_184 = arith.constant 8 : i32
        %add3A_185 = arith.addi %add3A_71, %add3A_184 : i32
        %dma_start3A_186 = arith.constant 0 : i32
        %dma_start3A_187 = tpu.memref_slice %arg7[%add3A_185, %dma_start3A_186] : memref<80x128xi32, #tpu.memory_space<vmem>> -> memref<1x128xi32, #tpu.memory_space<vmem>>
        %dma_start3A_188 = tpu.memref_squeeze %dma_start3A_187 : memref<1x128xi32, #tpu.memory_space<vmem>> -> memref<128xi32, #tpu.memory_space<vmem>>
        %dma_start3A_189 = arith.constant 0 : i32
        %dma_start3A_190 = arith.constant 0 : i32
        %dma_start3A_191 = tpu.memref_slice %arg2[%dma_start3A_189, %dma_start3A_190] : memref<10000x16xf32, #tpu.memory_space<hbm>> -> memref<10000x16xf32, #tpu.memory_space<hbm>>
        tpu.enqueue_indirect_dma source(%dma_start3A_191 : memref<10000x16xf32, #tpu.memory_space<hbm>>) target(%arg10 : memref<128x16xf32, #tpu.memory_space<vmem>>) offsets(%dma_start3A_188 : memref<128xi32, #tpu.memory_space<vmem>>) semaphore(%arg18 : memref<!tpu.dma_semaphore, #tpu.memory_space<semaphore_mem>>)
      } else {
      }
      %mul3A_79 = arith.constant 8 : i32
      %mul3A_80 = arith.muli %scan3A_67, %mul3A_79 : i32
      %add3A_81 = arith.constant 1 : i32
      %add3A_82 = arith.addi %mul3A_80, %add3A_81 : i32
      %dma_wait3A_83 = arith.constant 0 : i32
      %dma_wait3A_84 = tpu.memref_slice %arg7[%add3A_82, %dma_wait3A_83] : memref<80x128xi32, #tpu.memory_space<vmem>> -> memref<1x128xi32, #tpu.memory_space<vmem>>
      %dma_wait3A_85 = tpu.memref_squeeze %dma_wait3A_84 : memref<1x128xi32, #tpu.memory_space<vmem>> -> memref<128xi32, #tpu.memory_space<vmem>>
      %dma_wait3A_86 = arith.constant 0 : i32
      %dma_wait3A_87 = arith.constant 0 : i32
      %dma_wait3A_88 = tpu.memref_slice %arg2[%dma_wait3A_86, %dma_wait3A_87] : memref<10000x16xf32, #tpu.memory_space<hbm>> -> memref<10000x16xf32, #tpu.memory_space<hbm>>
      tpu.wait_indirect_dma semaphore(%arg19 : memref<!tpu.dma_semaphore, #tpu.memory_space<semaphore_mem>>) src(%dma_wait3A_88 : memref<10000x16xf32, #tpu.memory_space<hbm>>) dst(%arg11 : memref<128x16xf32, #tpu.memory_space<vmem>>)
      "tpu.region"() ({
        %run_scoped3A = tpu.sem_alloc : memref<!tpu.dma_semaphore, #tpu.memory_space<semaphore_mem>>
        %dma_start3A_184 = arith.constant 0 : i32
        %dma_start3A_185 = tpu.memref_slice %arg8[%add3A_82, %dma_start3A_184] : memref<80x128xi32, #tpu.memory_space<vmem>> -> memref<1x128xi32, #tpu.memory_space<vmem>>
        %dma_start3A_186 = tpu.memref_squeeze %dma_start3A_185 : memref<1x128xi32, #tpu.memory_space<vmem>> -> memref<128xi32, #tpu.memory_space<vmem>>
        %dma_start3A_187 = arith.constant 0 : i32
        %dma_start3A_188 = arith.constant 0 : i32
        %dma_start3A_189 = tpu.memref_slice %arg9[%dma_start3A_187, %dma_start3A_188] : memref<10112x16xf32, #tpu.memory_space<vmem_shared>> -> memref<10112x16xf32, #tpu.memory_space<vmem_shared>>
        tpu.enqueue_indirect_dma source(%arg11 : memref<128x16xf32, #tpu.memory_space<vmem>>) target(%dma_start3A_189 : memref<10112x16xf32, #tpu.memory_space<vmem_shared>>) offsets(%dma_start3A_186 : memref<128xi32, #tpu.memory_space<vmem>>) semaphore(%run_scoped3A : memref<!tpu.dma_semaphore, #tpu.memory_space<semaphore_mem>>) {add = true}
        %dma_wait3A_190 = arith.constant 0 : i32
        %dma_wait3A_191 = tpu.memref_slice %arg8[%add3A_82, %dma_wait3A_190] : memref<80x128xi32, #tpu.memory_space<vmem>> -> memref<1x128xi32, #tpu.memory_space<vmem>>
        %dma_wait3A_192 = tpu.memref_squeeze %dma_wait3A_191 : memref<1x128xi32, #tpu.memory_space<vmem>> -> memref<128xi32, #tpu.memory_space<vmem>>
        %dma_wait3A_193 = arith.constant 0 : i32
        %dma_wait3A_194 = arith.constant 0 : i32
        %dma_wait3A_195 = tpu.memref_slice %arg9[%dma_wait3A_193, %dma_wait3A_194] : memref<10112x16xf32, #tpu.memory_space<vmem_shared>> -> memref<10112x16xf32, #tpu.memory_space<vmem_shared>>
        tpu.wait_indirect_dma semaphore(%run_scoped3A : memref<!tpu.dma_semaphore, #tpu.memory_space<semaphore_mem>>) src(%arg11 : memref<128x16xf32, #tpu.memory_space<vmem>>) dst(%dma_wait3A_195 : memref<10112x16xf32, #tpu.memory_space<vmem_shared>>)
        tpu.yield
      }) : () -> ()
      %lt3A_89 = arith.constant 9 : i32
      %lt3A_90 = arith.cmpi slt, %scan3A_67, %lt3A_89 : i32
      %convert_element_type3A_91 = arith.extui %lt3A_90 : i1 to i32
      %cond3A_92 = arith.constant 0 : i32
      %cond3A_93 = arith.cmpi ne, %convert_element_type3A_91, %cond3A_92 : i32
      scf.if %cond3A_93 {
        %add3A_184 = arith.constant 8 : i32
        %add3A_185 = arith.addi %add3A_82, %add3A_184 : i32
        %dma_start3A_186 = arith.constant 0 : i32
        %dma_start3A_187 = tpu.memref_slice %arg7[%add3A_185, %dma_start3A_186] : memref<80x128xi32, #tpu.memory_space<vmem>> -> memref<1x128xi32, #tpu.memory_space<vmem>>
        %dma_start3A_188 = tpu.memref_squeeze %dma_start3A_187 : memref<1x128xi32, #tpu.memory_space<vmem>> -> memref<128xi32, #tpu.memory_space<vmem>>
        %dma_start3A_189 = arith.constant 0 : i32
        %dma_start3A_190 = arith.constant 0 : i32
        %dma_start3A_191 = tpu.memref_slice %arg2[%dma_start3A_189, %dma_start3A_190] : memref<10000x16xf32, #tpu.memory_space<hbm>> -> memref<10000x16xf32, #tpu.memory_space<hbm>>
        tpu.enqueue_indirect_dma source(%dma_start3A_191 : memref<10000x16xf32, #tpu.memory_space<hbm>>) target(%arg11 : memref<128x16xf32, #tpu.memory_space<vmem>>) offsets(%dma_start3A_188 : memref<128xi32, #tpu.memory_space<vmem>>) semaphore(%arg19 : memref<!tpu.dma_semaphore, #tpu.memory_space<semaphore_mem>>)
      } else {
      }
      %mul3A_94 = arith.constant 8 : i32
      %mul3A_95 = arith.muli %scan3A_67, %mul3A_94 : i32
      %add3A_96 = arith.constant 2 : i32
      %add3A_97 = arith.addi %mul3A_95, %add3A_96 : i32
      %dma_wait3A_98 = arith.constant 0 : i32
      %dma_wait3A_99 = tpu.memref_slice %arg7[%add3A_97, %dma_wait3A_98] : memref<80x128xi32, #tpu.memory_space<vmem>> -> memref<1x128xi32, #tpu.memory_space<vmem>>
      %dma_wait3A_100 = tpu.memref_squeeze %dma_wait3A_99 : memref<1x128xi32, #tpu.memory_space<vmem>> -> memref<128xi32, #tpu.memory_space<vmem>>
      %dma_wait3A_101 = arith.constant 0 : i32
      %dma_wait3A_102 = arith.constant 0 : i32
      %dma_wait3A_103 = tpu.memref_slice %arg2[%dma_wait3A_101, %dma_wait3A_102] : memref<10000x16xf32, #tpu.memory_space<hbm>> -> memref<10000x16xf32, #tpu.memory_space<hbm>>
      tpu.wait_indirect_dma semaphore(%arg20 : memref<!tpu.dma_semaphore, #tpu.memory_space<semaphore_mem>>) src(%dma_wait3A_103 : memref<10000x16xf32, #tpu.memory_space<hbm>>) dst(%arg12 : memref<128x16xf32, #tpu.memory_space<vmem>>)
      "tpu.region"() ({
        %run_scoped3A = tpu.sem_alloc : memref<!tpu.dma_semaphore, #tpu.memory_space<semaphore_mem>>
        %dma_start3A_184 = arith.constant 0 : i32
        %dma_start3A_185 = tpu.memref_slice %arg8[%add3A_97, %dma_start3A_184] : memref<80x128xi32, #tpu.memory_space<vmem>> -> memref<1x128xi32, #tpu.memory_space<vmem>>
        %dma_start3A_186 = tpu.memref_squeeze %dma_start3A_185 : memref<1x128xi32, #tpu.memory_space<vmem>> -> memref<128xi32, #tpu.memory_space<vmem>>
        %dma_start3A_187 = arith.constant 0 : i32
        %dma_start3A_188 = arith.constant 0 : i32
        %dma_start3A_189 = tpu.memref_slice %arg9[%dma_start3A_187, %dma_start3A_188] : memref<10112x16xf32, #tpu.memory_space<vmem_shared>> -> memref<10112x16xf32, #tpu.memory_space<vmem_shared>>
        tpu.enqueue_indirect_dma source(%arg12 : memref<128x16xf32, #tpu.memory_space<vmem>>) target(%dma_start3A_189 : memref<10112x16xf32, #tpu.memory_space<vmem_shared>>) offsets(%dma_start3A_186 : memref<128xi32, #tpu.memory_space<vmem>>) semaphore(%run_scoped3A : memref<!tpu.dma_semaphore, #tpu.memory_space<semaphore_mem>>) {add = true}
        %dma_wait3A_190 = arith.constant 0 : i32
        %dma_wait3A_191 = tpu.memref_slice %arg8[%add3A_97, %dma_wait3A_190] : memref<80x128xi32, #tpu.memory_space<vmem>> -> memref<1x128xi32, #tpu.memory_space<vmem>>
        %dma_wait3A_192 = tpu.memref_squeeze %dma_wait3A_191 : memref<1x128xi32, #tpu.memory_space<vmem>> -> memref<128xi32, #tpu.memory_space<vmem>>
        %dma_wait3A_193 = arith.constant 0 : i32
        %dma_wait3A_194 = arith.constant 0 : i32
        %dma_wait3A_195 = tpu.memref_slice %arg9[%dma_wait3A_193, %dma_wait3A_194] : memref<10112x16xf32, #tpu.memory_space<vmem_shared>> -> memref<10112x16xf32, #tpu.memory_space<vmem_shared>>
        tpu.wait_indirect_dma semaphore(%run_scoped3A : memref<!tpu.dma_semaphore, #tpu.memory_space<semaphore_mem>>) src(%arg12 : memref<128x16xf32, #tpu.memory_space<vmem>>) dst(%dma_wait3A_195 : memref<10112x16xf32, #tpu.memory_space<vmem_shared>>)
        tpu.yield
      }) : () -> ()
      %lt3A_104 = arith.constant 9 : i32
      %lt3A_105 = arith.cmpi slt, %scan3A_67, %lt3A_104 : i32
      %convert_element_type3A_106 = arith.extui %lt3A_105 : i1 to i32
      %cond3A_107 = arith.constant 0 : i32
      %cond3A_108 = arith.cmpi ne, %convert_element_type3A_106, %cond3A_107 : i32
      scf.if %cond3A_108 {
        %add3A_184 = arith.constant 8 : i32
        %add3A_185 = arith.addi %add3A_97, %add3A_184 : i32
        %dma_start3A_186 = arith.constant 0 : i32
        %dma_start3A_187 = tpu.memref_slice %arg7[%add3A_185, %dma_start3A_186] : memref<80x128xi32, #tpu.memory_space<vmem>> -> memref<1x128xi32, #tpu.memory_space<vmem>>
        %dma_start3A_188 = tpu.memref_squeeze %dma_start3A_187 : memref<1x128xi32, #tpu.memory_space<vmem>> -> memref<128xi32, #tpu.memory_space<vmem>>
        %dma_start3A_189 = arith.constant 0 : i32
        %dma_start3A_190 = arith.constant 0 : i32
        %dma_start3A_191 = tpu.memref_slice %arg2[%dma_start3A_189, %dma_start3A_190] : memref<10000x16xf32, #tpu.memory_space<hbm>> -> memref<10000x16xf32, #tpu.memory_space<hbm>>
        tpu.enqueue_indirect_dma source(%dma_start3A_191 : memref<10000x16xf32, #tpu.memory_space<hbm>>) target(%arg12 : memref<128x16xf32, #tpu.memory_space<vmem>>) offsets(%dma_start3A_188 : memref<128xi32, #tpu.memory_space<vmem>>) semaphore(%arg20 : memref<!tpu.dma_semaphore, #tpu.memory_space<semaphore_mem>>)
      } else {
      }
      %mul3A_109 = arith.constant 8 : i32
      %mul3A_110 = arith.muli %scan3A_67, %mul3A_109 : i32
      %add3A_111 = arith.constant 3 : i32
      %add3A_112 = arith.addi %mul3A_110, %add3A_111 : i32
      %dma_wait3A_113 = arith.constant 0 : i32
      %dma_wait3A_114 = tpu.memref_slice %arg7[%add3A_112, %dma_wait3A_113] : memref<80x128xi32, #tpu.memory_space<vmem>> -> memref<1x128xi32, #tpu.memory_space<vmem>>
      %dma_wait3A_115 = tpu.memref_squeeze %dma_wait3A_114 : memref<1x128xi32, #tpu.memory_space<vmem>> -> memref<128xi32, #tpu.memory_space<vmem>>
      %dma_wait3A_116 = arith.constant 0 : i32
      %dma_wait3A_117 = arith.constant 0 : i32
      %dma_wait3A_118 = tpu.memref_slice %arg2[%dma_wait3A_116, %dma_wait3A_117] : memref<10000x16xf32, #tpu.memory_space<hbm>> -> memref<10000x16xf32, #tpu.memory_space<hbm>>
      tpu.wait_indirect_dma semaphore(%arg21 : memref<!tpu.dma_semaphore, #tpu.memory_space<semaphore_mem>>) src(%dma_wait3A_118 : memref<10000x16xf32, #tpu.memory_space<hbm>>) dst(%arg13 : memref<128x16xf32, #tpu.memory_space<vmem>>)
      "tpu.region"() ({
        %run_scoped3A = tpu.sem_alloc : memref<!tpu.dma_semaphore, #tpu.memory_space<semaphore_mem>>
        %dma_start3A_184 = arith.constant 0 : i32
        %dma_start3A_185 = tpu.memref_slice %arg8[%add3A_112, %dma_start3A_184] : memref<80x128xi32, #tpu.memory_space<vmem>> -> memref<1x128xi32, #tpu.memory_space<vmem>>
        %dma_start3A_186 = tpu.memref_squeeze %dma_start3A_185 : memref<1x128xi32, #tpu.memory_space<vmem>> -> memref<128xi32, #tpu.memory_space<vmem>>
        %dma_start3A_187 = arith.constant 0 : i32
        %dma_start3A_188 = arith.constant 0 : i32
        %dma_start3A_189 = tpu.memref_slice %arg9[%dma_start3A_187, %dma_start3A_188] : memref<10112x16xf32, #tpu.memory_space<vmem_shared>> -> memref<10112x16xf32, #tpu.memory_space<vmem_shared>>
        tpu.enqueue_indirect_dma source(%arg13 : memref<128x16xf32, #tpu.memory_space<vmem>>) target(%dma_start3A_189 : memref<10112x16xf32, #tpu.memory_space<vmem_shared>>) offsets(%dma_start3A_186 : memref<128xi32, #tpu.memory_space<vmem>>) semaphore(%run_scoped3A : memref<!tpu.dma_semaphore, #tpu.memory_space<semaphore_mem>>) {add = true}
        %dma_wait3A_190 = arith.constant 0 : i32
        %dma_wait3A_191 = tpu.memref_slice %arg8[%add3A_112, %dma_wait3A_190] : memref<80x128xi32, #tpu.memory_space<vmem>> -> memref<1x128xi32, #tpu.memory_space<vmem>>
        %dma_wait3A_192 = tpu.memref_squeeze %dma_wait3A_191 : memref<1x128xi32, #tpu.memory_space<vmem>> -> memref<128xi32, #tpu.memory_space<vmem>>
        %dma_wait3A_193 = arith.constant 0 : i32
        %dma_wait3A_194 = arith.constant 0 : i32
        %dma_wait3A_195 = tpu.memref_slice %arg9[%dma_wait3A_193, %dma_wait3A_194] : memref<10112x16xf32, #tpu.memory_space<vmem_shared>> -> memref<10112x16xf32, #tpu.memory_space<vmem_shared>>
        tpu.wait_indirect_dma semaphore(%run_scoped3A : memref<!tpu.dma_semaphore, #tpu.memory_space<semaphore_mem>>) src(%arg13 : memref<128x16xf32, #tpu.memory_space<vmem>>) dst(%dma_wait3A_195 : memref<10112x16xf32, #tpu.memory_space<vmem_shared>>)
        tpu.yield
      }) : () -> ()
      %lt3A_119 = arith.constant 9 : i32
      %lt3A_120 = arith.cmpi slt, %scan3A_67, %lt3A_119 : i32
      %convert_element_type3A_121 = arith.extui %lt3A_120 : i1 to i32
      %cond3A_122 = arith.constant 0 : i32
      %cond3A_123 = arith.cmpi ne, %convert_element_type3A_121, %cond3A_122 : i32
      scf.if %cond3A_123 {
        %add3A_184 = arith.constant 8 : i32
        %add3A_185 = arith.addi %add3A_112, %add3A_184 : i32
        %dma_start3A_186 = arith.constant 0 : i32
        %dma_start3A_187 = tpu.memref_slice %arg7[%add3A_185, %dma_start3A_186] : memref<80x128xi32, #tpu.memory_space<vmem>> -> memref<1x128xi32, #tpu.memory_space<vmem>>
        %dma_start3A_188 = tpu.memref_squeeze %dma_start3A_187 : memref<1x128xi32, #tpu.memory_space<vmem>> -> memref<128xi32, #tpu.memory_space<vmem>>
        %dma_start3A_189 = arith.constant 0 : i32
        %dma_start3A_190 = arith.constant 0 : i32
        %dma_start3A_191 = tpu.memref_slice %arg2[%dma_start3A_189, %dma_start3A_190] : memref<10000x16xf32, #tpu.memory_space<hbm>> -> memref<10000x16xf32, #tpu.memory_space<hbm>>
        tpu.enqueue_indirect_dma source(%dma_start3A_191 : memref<10000x16xf32, #tpu.memory_space<hbm>>) target(%arg13 : memref<128x16xf32, #tpu.memory_space<vmem>>) offsets(%dma_start3A_188 : memref<128xi32, #tpu.memory_space<vmem>>) semaphore(%arg21 : memref<!tpu.dma_semaphore, #tpu.memory_space<semaphore_mem>>)
      } else {
      }
      %mul3A_124 = arith.constant 8 : i32
      %mul3A_125 = arith.muli %scan3A_67, %mul3A_124 : i32
      %add3A_126 = arith.constant 4 : i32
      %add3A_127 = arith.addi %mul3A_125, %add3A_126 : i32
      %dma_wait3A_128 = arith.constant 0 : i32
      %dma_wait3A_129 = tpu.memref_slice %arg7[%add3A_127, %dma_wait3A_128] : memref<80x128xi32, #tpu.memory_space<vmem>> -> memref<1x128xi32, #tpu.memory_space<vmem>>
      %dma_wait3A_130 = tpu.memref_squeeze %dma_wait3A_129 : memref<1x128xi32, #tpu.memory_space<vmem>> -> memref<128xi32, #tpu.memory_space<vmem>>
      %dma_wait3A_131 = arith.constant 0 : i32
      %dma_wait3A_132 = arith.constant 0 : i32
      %dma_wait3A_133 = tpu.memref_slice %arg2[%dma_wait3A_131, %dma_wait3A_132] : memref<10000x16xf32, #tpu.memory_space<hbm>> -> memref<10000x16xf32, #tpu.memory_space<hbm>>
      tpu.wait_indirect_dma semaphore(%arg22 : memref<!tpu.dma_semaphore, #tpu.memory_space<semaphore_mem>>) src(%dma_wait3A_133 : memref<10000x16xf32, #tpu.memory_space<hbm>>) dst(%arg14 : memref<128x16xf32, #tpu.memory_space<vmem>>)
      "tpu.region"() ({
        %run_scoped3A = tpu.sem_alloc : memref<!tpu.dma_semaphore, #tpu.memory_space<semaphore_mem>>
        %dma_start3A_184 = arith.constant 0 : i32
        %dma_start3A_185 = tpu.memref_slice %arg8[%add3A_127, %dma_start3A_184] : memref<80x128xi32, #tpu.memory_space<vmem>> -> memref<1x128xi32, #tpu.memory_space<vmem>>
        %dma_start3A_186 = tpu.memref_squeeze %dma_start3A_185 : memref<1x128xi32, #tpu.memory_space<vmem>> -> memref<128xi32, #tpu.memory_space<vmem>>
        %dma_start3A_187 = arith.constant 0 : i32
        %dma_start3A_188 = arith.constant 0 : i32
        %dma_start3A_189 = tpu.memref_slice %arg9[%dma_start3A_187, %dma_start3A_188] : memref<10112x16xf32, #tpu.memory_space<vmem_shared>> -> memref<10112x16xf32, #tpu.memory_space<vmem_shared>>
        tpu.enqueue_indirect_dma source(%arg14 : memref<128x16xf32, #tpu.memory_space<vmem>>) target(%dma_start3A_189 : memref<10112x16xf32, #tpu.memory_space<vmem_shared>>) offsets(%dma_start3A_186 : memref<128xi32, #tpu.memory_space<vmem>>) semaphore(%run_scoped3A : memref<!tpu.dma_semaphore, #tpu.memory_space<semaphore_mem>>) {add = true}
        %dma_wait3A_190 = arith.constant 0 : i32
        %dma_wait3A_191 = tpu.memref_slice %arg8[%add3A_127, %dma_wait3A_190] : memref<80x128xi32, #tpu.memory_space<vmem>> -> memref<1x128xi32, #tpu.memory_space<vmem>>
        %dma_wait3A_192 = tpu.memref_squeeze %dma_wait3A_191 : memref<1x128xi32, #tpu.memory_space<vmem>> -> memref<128xi32, #tpu.memory_space<vmem>>
        %dma_wait3A_193 = arith.constant 0 : i32
        %dma_wait3A_194 = arith.constant 0 : i32
        %dma_wait3A_195 = tpu.memref_slice %arg9[%dma_wait3A_193, %dma_wait3A_194] : memref<10112x16xf32, #tpu.memory_space<vmem_shared>> -> memref<10112x16xf32, #tpu.memory_space<vmem_shared>>
        tpu.wait_indirect_dma semaphore(%run_scoped3A : memref<!tpu.dma_semaphore, #tpu.memory_space<semaphore_mem>>) src(%arg14 : memref<128x16xf32, #tpu.memory_space<vmem>>) dst(%dma_wait3A_195 : memref<10112x16xf32, #tpu.memory_space<vmem_shared>>)
        tpu.yield
      }) : () -> ()
      %lt3A_134 = arith.constant 9 : i32
      %lt3A_135 = arith.cmpi slt, %scan3A_67, %lt3A_134 : i32
      %convert_element_type3A_136 = arith.extui %lt3A_135 : i1 to i32
      %cond3A_137 = arith.constant 0 : i32
      %cond3A_138 = arith.cmpi ne, %convert_element_type3A_136, %cond3A_137 : i32
      scf.if %cond3A_138 {
        %add3A_184 = arith.constant 8 : i32
        %add3A_185 = arith.addi %add3A_127, %add3A_184 : i32
        %dma_start3A_186 = arith.constant 0 : i32
        %dma_start3A_187 = tpu.memref_slice %arg7[%add3A_185, %dma_start3A_186] : memref<80x128xi32, #tpu.memory_space<vmem>> -> memref<1x128xi32, #tpu.memory_space<vmem>>
        %dma_start3A_188 = tpu.memref_squeeze %dma_start3A_187 : memref<1x128xi32, #tpu.memory_space<vmem>> -> memref<128xi32, #tpu.memory_space<vmem>>
        %dma_start3A_189 = arith.constant 0 : i32
        %dma_start3A_190 = arith.constant 0 : i32
        %dma_start3A_191 = tpu.memref_slice %arg2[%dma_start3A_189, %dma_start3A_190] : memref<10000x16xf32, #tpu.memory_space<hbm>> -> memref<10000x16xf32, #tpu.memory_space<hbm>>
        tpu.enqueue_indirect_dma source(%dma_start3A_191 : memref<10000x16xf32, #tpu.memory_space<hbm>>) target(%arg14 : memref<128x16xf32, #tpu.memory_space<vmem>>) offsets(%dma_start3A_188 : memref<128xi32, #tpu.memory_space<vmem>>) semaphore(%arg22 : memref<!tpu.dma_semaphore, #tpu.memory_space<semaphore_mem>>)
      } else {
      }
      %mul3A_139 = arith.constant 8 : i32
      %mul3A_140 = arith.muli %scan3A_67, %mul3A_139 : i32
      %add3A_141 = arith.constant 5 : i32
      %add3A_142 = arith.addi %mul3A_140, %add3A_141 : i32
      %dma_wait3A_143 = arith.constant 0 : i32
      %dma_wait3A_144 = tpu.memref_slice %arg7[%add3A_142, %dma_wait3A_143] : memref<80x128xi32, #tpu.memory_space<vmem>> -> memref<1x128xi32, #tpu.memory_space<vmem>>
      %dma_wait3A_145 = tpu.memref_squeeze %dma_wait3A_144 : memref<1x128xi32, #tpu.memory_space<vmem>> -> memref<128xi32, #tpu.memory_space<vmem>>
      %dma_wait3A_146 = arith.constant 0 : i32
      %dma_wait3A_147 = arith.constant 0 : i32
      %dma_wait3A_148 = tpu.memref_slice %arg2[%dma_wait3A_146, %dma_wait3A_147] : memref<10000x16xf32, #tpu.memory_space<hbm>> -> memref<10000x16xf32, #tpu.memory_space<hbm>>
      tpu.wait_indirect_dma semaphore(%arg23 : memref<!tpu.dma_semaphore, #tpu.memory_space<semaphore_mem>>) src(%dma_wait3A_148 : memref<10000x16xf32, #tpu.memory_space<hbm>>) dst(%arg15 : memref<128x16xf32, #tpu.memory_space<vmem>>)
      "tpu.region"() ({
        %run_scoped3A = tpu.sem_alloc : memref<!tpu.dma_semaphore, #tpu.memory_space<semaphore_mem>>
        %dma_start3A_184 = arith.constant 0 : i32
        %dma_start3A_185 = tpu.memref_slice %arg8[%add3A_142, %dma_start3A_184] : memref<80x128xi32, #tpu.memory_space<vmem>> -> memref<1x128xi32, #tpu.memory_space<vmem>>
        %dma_start3A_186 = tpu.memref_squeeze %dma_start3A_185 : memref<1x128xi32, #tpu.memory_space<vmem>> -> memref<128xi32, #tpu.memory_space<vmem>>
        %dma_start3A_187 = arith.constant 0 : i32
        %dma_start3A_188 = arith.constant 0 : i32
        %dma_start3A_189 = tpu.memref_slice %arg9[%dma_start3A_187, %dma_start3A_188] : memref<10112x16xf32, #tpu.memory_space<vmem_shared>> -> memref<10112x16xf32, #tpu.memory_space<vmem_shared>>
        tpu.enqueue_indirect_dma source(%arg15 : memref<128x16xf32, #tpu.memory_space<vmem>>) target(%dma_start3A_189 : memref<10112x16xf32, #tpu.memory_space<vmem_shared>>) offsets(%dma_start3A_186 : memref<128xi32, #tpu.memory_space<vmem>>) semaphore(%run_scoped3A : memref<!tpu.dma_semaphore, #tpu.memory_space<semaphore_mem>>) {add = true}
        %dma_wait3A_190 = arith.constant 0 : i32
        %dma_wait3A_191 = tpu.memref_slice %arg8[%add3A_142, %dma_wait3A_190] : memref<80x128xi32, #tpu.memory_space<vmem>> -> memref<1x128xi32, #tpu.memory_space<vmem>>
        %dma_wait3A_192 = tpu.memref_squeeze %dma_wait3A_191 : memref<1x128xi32, #tpu.memory_space<vmem>> -> memref<128xi32, #tpu.memory_space<vmem>>
        %dma_wait3A_193 = arith.constant 0 : i32
        %dma_wait3A_194 = arith.constant 0 : i32
        %dma_wait3A_195 = tpu.memref_slice %arg9[%dma_wait3A_193, %dma_wait3A_194] : memref<10112x16xf32, #tpu.memory_space<vmem_shared>> -> memref<10112x16xf32, #tpu.memory_space<vmem_shared>>
        tpu.wait_indirect_dma semaphore(%run_scoped3A : memref<!tpu.dma_semaphore, #tpu.memory_space<semaphore_mem>>) src(%arg15 : memref<128x16xf32, #tpu.memory_space<vmem>>) dst(%dma_wait3A_195 : memref<10112x16xf32, #tpu.memory_space<vmem_shared>>)
        tpu.yield
      }) : () -> ()
      %lt3A_149 = arith.constant 9 : i32
      %lt3A_150 = arith.cmpi slt, %scan3A_67, %lt3A_149 : i32
      %convert_element_type3A_151 = arith.extui %lt3A_150 : i1 to i32
      %cond3A_152 = arith.constant 0 : i32
      %cond3A_153 = arith.cmpi ne, %convert_element_type3A_151, %cond3A_152 : i32
      scf.if %cond3A_153 {
        %add3A_184 = arith.constant 8 : i32
        %add3A_185 = arith.addi %add3A_142, %add3A_184 : i32
        %dma_start3A_186 = arith.constant 0 : i32
        %dma_start3A_187 = tpu.memref_slice %arg7[%add3A_185, %dma_start3A_186] : memref<80x128xi32, #tpu.memory_space<vmem>> -> memref<1x128xi32, #tpu.memory_space<vmem>>
        %dma_start3A_188 = tpu.memref_squeeze %dma_start3A_187 : memref<1x128xi32, #tpu.memory_space<vmem>> -> memref<128xi32, #tpu.memory_space<vmem>>
        %dma_start3A_189 = arith.constant 0 : i32
        %dma_start3A_190 = arith.constant 0 : i32
        %dma_start3A_191 = tpu.memref_slice %arg2[%dma_start3A_189, %dma_start3A_190] : memref<10000x16xf32, #tpu.memory_space<hbm>> -> memref<10000x16xf32, #tpu.memory_space<hbm>>
        tpu.enqueue_indirect_dma source(%dma_start3A_191 : memref<10000x16xf32, #tpu.memory_space<hbm>>) target(%arg15 : memref<128x16xf32, #tpu.memory_space<vmem>>) offsets(%dma_start3A_188 : memref<128xi32, #tpu.memory_space<vmem>>) semaphore(%arg23 : memref<!tpu.dma_semaphore, #tpu.memory_space<semaphore_mem>>)
      } else {
      }
      %mul3A_154 = arith.constant 8 : i32
      %mul3A_155 = arith.muli %scan3A_67, %mul3A_154 : i32
      %add3A_156 = arith.constant 6 : i32
      %add3A_157 = arith.addi %mul3A_155, %add3A_156 : i32
      %dma_wait3A_158 = arith.constant 0 : i32
      %dma_wait3A_159 = tpu.memref_slice %arg7[%add3A_157, %dma_wait3A_158] : memref<80x128xi32, #tpu.memory_space<vmem>> -> memref<1x128xi32, #tpu.memory_space<vmem>>
      %dma_wait3A_160 = tpu.memref_squeeze %dma_wait3A_159 : memref<1x128xi32, #tpu.memory_space<vmem>> -> memref<128xi32, #tpu.memory_space<vmem>>
      %dma_wait3A_161 = arith.constant 0 : i32
      %dma_wait3A_162 = arith.constant 0 : i32
      %dma_wait3A_163 = tpu.memref_slice %arg2[%dma_wait3A_161, %dma_wait3A_162] : memref<10000x16xf32, #tpu.memory_space<hbm>> -> memref<10000x16xf32, #tpu.memory_space<hbm>>
      tpu.wait_indirect_dma semaphore(%arg24 : memref<!tpu.dma_semaphore, #tpu.memory_space<semaphore_mem>>) src(%dma_wait3A_163 : memref<10000x16xf32, #tpu.memory_space<hbm>>) dst(%arg16 : memref<128x16xf32, #tpu.memory_space<vmem>>)
      "tpu.region"() ({
        %run_scoped3A = tpu.sem_alloc : memref<!tpu.dma_semaphore, #tpu.memory_space<semaphore_mem>>
        %dma_start3A_184 = arith.constant 0 : i32
        %dma_start3A_185 = tpu.memref_slice %arg8[%add3A_157, %dma_start3A_184] : memref<80x128xi32, #tpu.memory_space<vmem>> -> memref<1x128xi32, #tpu.memory_space<vmem>>
        %dma_start3A_186 = tpu.memref_squeeze %dma_start3A_185 : memref<1x128xi32, #tpu.memory_space<vmem>> -> memref<128xi32, #tpu.memory_space<vmem>>
        %dma_start3A_187 = arith.constant 0 : i32
        %dma_start3A_188 = arith.constant 0 : i32
        %dma_start3A_189 = tpu.memref_slice %arg9[%dma_start3A_187, %dma_start3A_188] : memref<10112x16xf32, #tpu.memory_space<vmem_shared>> -> memref<10112x16xf32, #tpu.memory_space<vmem_shared>>
        tpu.enqueue_indirect_dma source(%arg16 : memref<128x16xf32, #tpu.memory_space<vmem>>) target(%dma_start3A_189 : memref<10112x16xf32, #tpu.memory_space<vmem_shared>>) offsets(%dma_start3A_186 : memref<128xi32, #tpu.memory_space<vmem>>) semaphore(%run_scoped3A : memref<!tpu.dma_semaphore, #tpu.memory_space<semaphore_mem>>) {add = true}
        %dma_wait3A_190 = arith.constant 0 : i32
        %dma_wait3A_191 = tpu.memref_slice %arg8[%add3A_157, %dma_wait3A_190] : memref<80x128xi32, #tpu.memory_space<vmem>> -> memref<1x128xi32, #tpu.memory_space<vmem>>
        %dma_wait3A_192 = tpu.memref_squeeze %dma_wait3A_191 : memref<1x128xi32, #tpu.memory_space<vmem>> -> memref<128xi32, #tpu.memory_space<vmem>>
        %dma_wait3A_193 = arith.constant 0 : i32
        %dma_wait3A_194 = arith.constant 0 : i32
        %dma_wait3A_195 = tpu.memref_slice %arg9[%dma_wait3A_193, %dma_wait3A_194] : memref<10112x16xf32, #tpu.memory_space<vmem_shared>> -> memref<10112x16xf32, #tpu.memory_space<vmem_shared>>
        tpu.wait_indirect_dma semaphore(%run_scoped3A : memref<!tpu.dma_semaphore, #tpu.memory_space<semaphore_mem>>) src(%arg16 : memref<128x16xf32, #tpu.memory_space<vmem>>) dst(%dma_wait3A_195 : memref<10112x16xf32, #tpu.memory_space<vmem_shared>>)
        tpu.yield
      }) : () -> ()
      %lt3A_164 = arith.constant 9 : i32
      %lt3A_165 = arith.cmpi slt, %scan3A_67, %lt3A_164 : i32
      %convert_element_type3A_166 = arith.extui %lt3A_165 : i1 to i32
      %cond3A_167 = arith.constant 0 : i32
      %cond3A_168 = arith.cmpi ne, %convert_element_type3A_166, %cond3A_167 : i32
      scf.if %cond3A_168 {
        %add3A_184 = arith.constant 8 : i32
        %add3A_185 = arith.addi %add3A_157, %add3A_184 : i32
        %dma_start3A_186 = arith.constant 0 : i32
        %dma_start3A_187 = tpu.memref_slice %arg7[%add3A_185, %dma_start3A_186] : memref<80x128xi32, #tpu.memory_space<vmem>> -> memref<1x128xi32, #tpu.memory_space<vmem>>
        %dma_start3A_188 = tpu.memref_squeeze %dma_start3A_187 : memref<1x128xi32, #tpu.memory_space<vmem>> -> memref<128xi32, #tpu.memory_space<vmem>>
        %dma_start3A_189 = arith.constant 0 : i32
        %dma_start3A_190 = arith.constant 0 : i32
        %dma_start3A_191 = tpu.memref_slice %arg2[%dma_start3A_189, %dma_start3A_190] : memref<10000x16xf32, #tpu.memory_space<hbm>> -> memref<10000x16xf32, #tpu.memory_space<hbm>>
        tpu.enqueue_indirect_dma source(%dma_start3A_191 : memref<10000x16xf32, #tpu.memory_space<hbm>>) target(%arg16 : memref<128x16xf32, #tpu.memory_space<vmem>>) offsets(%dma_start3A_188 : memref<128xi32, #tpu.memory_space<vmem>>) semaphore(%arg24 : memref<!tpu.dma_semaphore, #tpu.memory_space<semaphore_mem>>)
      } else {
      }
      %mul3A_169 = arith.constant 8 : i32
      %mul3A_170 = arith.muli %scan3A_67, %mul3A_169 : i32
      %add3A_171 = arith.constant 7 : i32
      %add3A_172 = arith.addi %mul3A_170, %add3A_171 : i32
      %dma_wait3A_173 = arith.constant 0 : i32
      %dma_wait3A_174 = tpu.memref_slice %arg7[%add3A_172, %dma_wait3A_173] : memref<80x128xi32, #tpu.memory_space<vmem>> -> memref<1x128xi32, #tpu.memory_space<vmem>>
      %dma_wait3A_175 = tpu.memref_squeeze %dma_wait3A_174 : memref<1x128xi32, #tpu.memory_space<vmem>> -> memref<128xi32, #tpu.memory_space<vmem>>
      %dma_wait3A_176 = arith.constant 0 : i32
      %dma_wait3A_177 = arith.constant 0 : i32
      %dma_wait3A_178 = tpu.memref_slice %arg2[%dma_wait3A_176, %dma_wait3A_177] : memref<10000x16xf32, #tpu.memory_space<hbm>> -> memref<10000x16xf32, #tpu.memory_space<hbm>>
      tpu.wait_indirect_dma semaphore(%arg25 : memref<!tpu.dma_semaphore, #tpu.memory_space<semaphore_mem>>) src(%dma_wait3A_178 : memref<10000x16xf32, #tpu.memory_space<hbm>>) dst(%arg17 : memref<128x16xf32, #tpu.memory_space<vmem>>)
      "tpu.region"() ({
        %run_scoped3A = tpu.sem_alloc : memref<!tpu.dma_semaphore, #tpu.memory_space<semaphore_mem>>
        %dma_start3A_184 = arith.constant 0 : i32
        %dma_start3A_185 = tpu.memref_slice %arg8[%add3A_172, %dma_start3A_184] : memref<80x128xi32, #tpu.memory_space<vmem>> -> memref<1x128xi32, #tpu.memory_space<vmem>>
        %dma_start3A_186 = tpu.memref_squeeze %dma_start3A_185 : memref<1x128xi32, #tpu.memory_space<vmem>> -> memref<128xi32, #tpu.memory_space<vmem>>
        %dma_start3A_187 = arith.constant 0 : i32
        %dma_start3A_188 = arith.constant 0 : i32
        %dma_start3A_189 = tpu.memref_slice %arg9[%dma_start3A_187, %dma_start3A_188] : memref<10112x16xf32, #tpu.memory_space<vmem_shared>> -> memref<10112x16xf32, #tpu.memory_space<vmem_shared>>
        tpu.enqueue_indirect_dma source(%arg17 : memref<128x16xf32, #tpu.memory_space<vmem>>) target(%dma_start3A_189 : memref<10112x16xf32, #tpu.memory_space<vmem_shared>>) offsets(%dma_start3A_186 : memref<128xi32, #tpu.memory_space<vmem>>) semaphore(%run_scoped3A : memref<!tpu.dma_semaphore, #tpu.memory_space<semaphore_mem>>) {add = true}
        %dma_wait3A_190 = arith.constant 0 : i32
        %dma_wait3A_191 = tpu.memref_slice %arg8[%add3A_172, %dma_wait3A_190] : memref<80x128xi32, #tpu.memory_space<vmem>> -> memref<1x128xi32, #tpu.memory_space<vmem>>
        %dma_wait3A_192 = tpu.memref_squeeze %dma_wait3A_191 : memref<1x128xi32, #tpu.memory_space<vmem>> -> memref<128xi32, #tpu.memory_space<vmem>>
        %dma_wait3A_193 = arith.constant 0 : i32
        %dma_wait3A_194 = arith.constant 0 : i32
        %dma_wait3A_195 = tpu.memref_slice %arg9[%dma_wait3A_193, %dma_wait3A_194] : memref<10112x16xf32, #tpu.memory_space<vmem_shared>> -> memref<10112x16xf32, #tpu.memory_space<vmem_shared>>
        tpu.wait_indirect_dma semaphore(%run_scoped3A : memref<!tpu.dma_semaphore, #tpu.memory_space<semaphore_mem>>) src(%arg17 : memref<128x16xf32, #tpu.memory_space<vmem>>) dst(%dma_wait3A_195 : memref<10112x16xf32, #tpu.memory_space<vmem_shared>>)
        tpu.yield
      }) : () -> ()
      %lt3A_179 = arith.constant 9 : i32
      %lt3A_180 = arith.cmpi slt, %scan3A_67, %lt3A_179 : i32
      %convert_element_type3A_181 = arith.extui %lt3A_180 : i1 to i32
      %cond3A_182 = arith.constant 0 : i32
      %cond3A_183 = arith.cmpi ne, %convert_element_type3A_181, %cond3A_182 : i32
      scf.if %cond3A_183 {
        %add3A_184 = arith.constant 8 : i32
        %add3A_185 = arith.addi %add3A_172, %add3A_184 : i32
        %dma_start3A_186 = arith.constant 0 : i32
        %dma_start3A_187 = tpu.memref_slice %arg7[%add3A_185, %dma_start3A_186] : memref<80x128xi32, #tpu.memory_space<vmem>> -> memref<1x128xi32, #tpu.memory_space<vmem>>
        %dma_start3A_188 = tpu.memref_squeeze %dma_start3A_187 : memref<1x128xi32, #tpu.memory_space<vmem>> -> memref<128xi32, #tpu.memory_space<vmem>>
        %dma_start3A_189 = arith.constant 0 : i32
        %dma_start3A_190 = arith.constant 0 : i32
        %dma_start3A_191 = tpu.memref_slice %arg2[%dma_start3A_189, %dma_start3A_190] : memref<10000x16xf32, #tpu.memory_space<hbm>> -> memref<10000x16xf32, #tpu.memory_space<hbm>>
        tpu.enqueue_indirect_dma source(%dma_start3A_191 : memref<10000x16xf32, #tpu.memory_space<hbm>>) target(%arg17 : memref<128x16xf32, #tpu.memory_space<vmem>>) offsets(%dma_start3A_188 : memref<128xi32, #tpu.memory_space<vmem>>) semaphore(%arg25 : memref<!tpu.dma_semaphore, #tpu.memory_space<semaphore_mem>>)
      } else {
      }
    }
    %scan3A_62 = arith.constant 10 : i32
    %barrier3A_63 = arith.constant 0 : index
    tpu.barrier barrier_id(%barrier3A_63)
    %mul3A_64 = arith.constant 10112 : i32
    %mul3A_65 = arith.muli %arg0, %mul3A_64 : i32
    %add3A_66 = arith.addi %mul3A_65, %mul3A_2 : i32
    "tpu.region"() ({
      %run_scoped3A = tpu.sem_alloc : memref<!tpu.dma_semaphore, #tpu.memory_space<semaphore_mem>>
      %dma_start3A_67 = arith.constant 0 : i32
      %dma_start3A_68 = tpu.memref_slice %arg6[%add3A_66, %dma_start3A_67] : memref<20224x16xf32, #tpu.memory_space<hbm>> -> memref<632x16xf32, #tpu.memory_space<hbm>>
      %dma_start3A_69 = arith.constant 0 : i32
      %dma_start3A_70 = tpu.memref_slice %arg9[%mul3A_2, %dma_start3A_69] : memref<10112x16xf32, #tpu.memory_space<vmem_shared>> -> memref<632x16xf32, #tpu.memory_space<vmem_shared>>
      tpu.enqueue_dma source(%dma_start3A_70 : memref<632x16xf32, #tpu.memory_space<vmem_shared>>) target(%dma_start3A_68 : memref<632x16xf32, #tpu.memory_space<hbm>>) target_semaphore(%run_scoped3A : memref<!tpu.dma_semaphore, #tpu.memory_space<semaphore_mem>>)
      %dma_wait3A = arith.constant 0 : i32
      %dma_wait3A_71 = tpu.memref_slice %arg6[%add3A_66, %dma_wait3A] : memref<20224x16xf32, #tpu.memory_space<hbm>> -> memref<632x16xf32, #tpu.memory_space<hbm>>
      %dma_wait3A_72 = arith.constant 0 : i32
      %dma_wait3A_73 = tpu.memref_slice %arg9[%mul3A_2, %dma_wait3A_72] : memref<10112x16xf32, #tpu.memory_space<vmem_shared>> -> memref<632x16xf32, #tpu.memory_space<vmem_shared>>
      tpu.wait_dma2 semaphore(%run_scoped3A : memref<!tpu.dma_semaphore, #tpu.memory_space<semaphore_mem>>) src(%dma_wait3A_73 : memref<632x16xf32, #tpu.memory_space<vmem_shared>>) dst(%dma_wait3A_71 : memref<632x16xf32, #tpu.memory_space<hbm>>)
      tpu.yield
    }) : () -> ()
    return
  }
}

#map = affine_map<(d0, d1) -> (0, 0)>
#map1 = affine_map<(d0, d1) -> (0, 0, 0)>
module attributes {stable_mosaic.version = 14 : i64} {
  func.func @seg(%arg0: i32, %arg1: i32, %arg2: memref<10000x32xf32, #tpu.memory_space<hbm>>, %arg3: memref<32x80x128xi32, #tpu.memory_space<hbm>>, %arg4: memref<32x80x128xi32, #tpu.memory_space<hbm>>, %arg5: memref<10112x32xf32, #tpu.memory_space<hbm>>, %arg6: memref<20224x32xf32, #tpu.memory_space<hbm>>, %arg7: memref<80x128xi32, #tpu.memory_space<vmem>>, %arg8: memref<80x128xi32, #tpu.memory_space<vmem>>, %arg9: memref<10112x32xf32, #tpu.memory_space<vmem_shared>>, %arg10: memref<128x32xf32, #tpu.memory_space<vmem>>, %arg11: memref<128x32xf32, #tpu.memory_space<vmem>>, %arg12: memref<128x32xf32, #tpu.memory_space<vmem>>, %arg13: memref<128x32xf32, #tpu.memory_space<vmem>>, %arg14: memref<128x32xf32, #tpu.memory_space<vmem>>, %arg15: memref<128x32xf32, #tpu.memory_space<vmem>>, %arg16: memref<128x32xf32, #tpu.memory_space<vmem>>, %arg17: memref<128x32xf32, #tpu.memory_space<vmem>>, %arg18: memref<!tpu.dma_semaphore, #tpu.memory_space<semaphore_mem>>, %arg19: memref<!tpu.dma_semaphore, #tpu.memory_space<semaphore_mem>>, %arg20: memref<!tpu.dma_semaphore, #tpu.memory_space<semaphore_mem>>, %arg21: memref<!tpu.dma_semaphore, #tpu.memory_space<semaphore_mem>>, %arg22: memref<!tpu.dma_semaphore, #tpu.memory_space<semaphore_mem>>, %arg23: memref<!tpu.dma_semaphore, #tpu.memory_space<semaphore_mem>>, %arg24: memref<!tpu.dma_semaphore, #tpu.memory_space<semaphore_mem>>, %arg25: memref<!tpu.dma_semaphore, #tpu.memory_space<semaphore_mem>>) attributes {dimension_semantics = [#tpu.dimension_semantics<core_parallel>, #tpu.dimension_semantics<subcore_parallel>], iteration_bounds = array<i64: 2, 16>, scalar_prefetch = 0 : i64, scratch_operands = 19 : i64, tpu.core_type = #tpu.core_type<sc_vector_subcore>, window_params = [{transform_indices = #map}, {transform_indices = #map1}, {transform_indices = #map1}, {transform_indices = #map}, {transform_indices = #map}]} {
    %mul3A = arith.constant 2 : i32
    %mul3A_0 = arith.muli %arg1, %mul3A : i32
    %add3A = arith.addi %mul3A_0, %arg0 : i32
    %mul3A_1 = arith.constant 632 : i32
    %mul3A_2 = arith.muli %arg1, %mul3A_1 : i32
    "tpu.region"() ({
      %run_scoped3A = tpu.sem_alloc : memref<!tpu.dma_semaphore, #tpu.memory_space<semaphore_mem>>
      %dma_start3A_67 = arith.constant 0 : i32
      %dma_start3A_68 = tpu.memref_slice %arg9[%mul3A_2, %dma_start3A_67] : memref<10112x32xf32, #tpu.memory_space<vmem_shared>> -> memref<632x32xf32, #tpu.memory_space<vmem_shared>>
      %dma_start3A_69 = arith.constant 0 : i32
      %dma_start3A_70 = tpu.memref_slice %arg5[%mul3A_2, %dma_start3A_69] : memref<10112x32xf32, #tpu.memory_space<hbm>> -> memref<632x32xf32, #tpu.memory_space<hbm>>
      tpu.enqueue_dma source(%dma_start3A_70 : memref<632x32xf32, #tpu.memory_space<hbm>>) target(%dma_start3A_68 : memref<632x32xf32, #tpu.memory_space<vmem_shared>>) target_semaphore(%run_scoped3A : memref<!tpu.dma_semaphore, #tpu.memory_space<semaphore_mem>>)
      %dma_wait3A = arith.constant 0 : i32
      %dma_wait3A_71 = tpu.memref_slice %arg9[%mul3A_2, %dma_wait3A] : memref<10112x32xf32, #tpu.memory_space<vmem_shared>> -> memref<632x32xf32, #tpu.memory_space<vmem_shared>>
      %dma_wait3A_72 = arith.constant 0 : i32
      %dma_wait3A_73 = tpu.memref_slice %arg5[%mul3A_2, %dma_wait3A_72] : memref<10112x32xf32, #tpu.memory_space<hbm>> -> memref<632x32xf32, #tpu.memory_space<hbm>>
      tpu.wait_dma2 semaphore(%run_scoped3A : memref<!tpu.dma_semaphore, #tpu.memory_space<semaphore_mem>>) src(%dma_wait3A_73 : memref<632x32xf32, #tpu.memory_space<hbm>>) dst(%dma_wait3A_71 : memref<632x32xf32, #tpu.memory_space<vmem_shared>>)
      tpu.yield
    }) : () -> ()
    "tpu.region"() ({
      %run_scoped3A = tpu.sem_alloc : memref<!tpu.dma_semaphore, #tpu.memory_space<semaphore_mem>>
      %dma_start3A_67 = arith.constant 0 : i32
      %dma_start3A_68 = arith.constant 0 : i32
      %dma_start3A_69 = tpu.memref_slice %arg3[%add3A, %dma_start3A_67, %dma_start3A_68] : memref<32x80x128xi32, #tpu.memory_space<hbm>> -> memref<1x80x128xi32, #tpu.memory_space<hbm>>
      %dma_start3A_70 = tpu.memref_squeeze %dma_start3A_69 : memref<1x80x128xi32, #tpu.memory_space<hbm>> -> memref<80x128xi32, #tpu.memory_space<hbm>>
      %dma_start3A_71 = arith.constant 0 : i32
      %dma_start3A_72 = arith.constant 0 : i32
      %dma_start3A_73 = tpu.memref_slice %arg3[%add3A, %dma_start3A_71, %dma_start3A_72] : memref<32x80x128xi32, #tpu.memory_space<hbm>> -> memref<1x80x128xi32, #tpu.memory_space<hbm>>
      %dma_start3A_74 = tpu.memref_squeeze %dma_start3A_73 : memref<1x80x128xi32, #tpu.memory_space<hbm>> -> memref<80x128xi32, #tpu.memory_space<hbm>>
      tpu.enqueue_dma source(%dma_start3A_74 : memref<80x128xi32, #tpu.memory_space<hbm>>) target(%arg7 : memref<80x128xi32, #tpu.memory_space<vmem>>) target_semaphore(%run_scoped3A : memref<!tpu.dma_semaphore, #tpu.memory_space<semaphore_mem>>)
      %dma_wait3A = arith.constant 0 : i32
      %dma_wait3A_75 = arith.constant 0 : i32
      %dma_wait3A_76 = tpu.memref_slice %arg3[%add3A, %dma_wait3A, %dma_wait3A_75] : memref<32x80x128xi32, #tpu.memory_space<hbm>> -> memref<1x80x128xi32, #tpu.memory_space<hbm>>
      %dma_wait3A_77 = tpu.memref_squeeze %dma_wait3A_76 : memref<1x80x128xi32, #tpu.memory_space<hbm>> -> memref<80x128xi32, #tpu.memory_space<hbm>>
      %dma_wait3A_78 = arith.constant 0 : i32
      %dma_wait3A_79 = arith.constant 0 : i32
      %dma_wait3A_80 = tpu.memref_slice %arg3[%add3A, %dma_wait3A_78, %dma_wait3A_79] : memref<32x80x128xi32, #tpu.memory_space<hbm>> -> memref<1x80x128xi32, #tpu.memory_space<hbm>>
      %dma_wait3A_81 = tpu.memref_squeeze %dma_wait3A_80 : memref<1x80x128xi32, #tpu.memory_space<hbm>> -> memref<80x128xi32, #tpu.memory_space<hbm>>
      tpu.wait_dma2 semaphore(%run_scoped3A : memref<!tpu.dma_semaphore, #tpu.memory_space<semaphore_mem>>) src(%dma_wait3A_81 : memref<80x128xi32, #tpu.memory_space<hbm>>) dst(%arg7 : memref<80x128xi32, #tpu.memory_space<vmem>>)
      tpu.yield
    }) : () -> ()
    "tpu.region"() ({
      %run_scoped3A = tpu.sem_alloc : memref<!tpu.dma_semaphore, #tpu.memory_space<semaphore_mem>>
      %dma_start3A_67 = arith.constant 0 : i32
      %dma_start3A_68 = arith.constant 0 : i32
      %dma_start3A_69 = tpu.memref_slice %arg4[%add3A, %dma_start3A_67, %dma_start3A_68] : memref<32x80x128xi32, #tpu.memory_space<hbm>> -> memref<1x80x128xi32, #tpu.memory_space<hbm>>
      %dma_start3A_70 = tpu.memref_squeeze %dma_start3A_69 : memref<1x80x128xi32, #tpu.memory_space<hbm>> -> memref<80x128xi32, #tpu.memory_space<hbm>>
      %dma_start3A_71 = arith.constant 0 : i32
      %dma_start3A_72 = arith.constant 0 : i32
      %dma_start3A_73 = tpu.memref_slice %arg4[%add3A, %dma_start3A_71, %dma_start3A_72] : memref<32x80x128xi32, #tpu.memory_space<hbm>> -> memref<1x80x128xi32, #tpu.memory_space<hbm>>
      %dma_start3A_74 = tpu.memref_squeeze %dma_start3A_73 : memref<1x80x128xi32, #tpu.memory_space<hbm>> -> memref<80x128xi32, #tpu.memory_space<hbm>>
      tpu.enqueue_dma source(%dma_start3A_74 : memref<80x128xi32, #tpu.memory_space<hbm>>) target(%arg8 : memref<80x128xi32, #tpu.memory_space<vmem>>) target_semaphore(%run_scoped3A : memref<!tpu.dma_semaphore, #tpu.memory_space<semaphore_mem>>)
      %dma_wait3A = arith.constant 0 : i32
      %dma_wait3A_75 = arith.constant 0 : i32
      %dma_wait3A_76 = tpu.memref_slice %arg4[%add3A, %dma_wait3A, %dma_wait3A_75] : memref<32x80x128xi32, #tpu.memory_space<hbm>> -> memref<1x80x128xi32, #tpu.memory_space<hbm>>
      %dma_wait3A_77 = tpu.memref_squeeze %dma_wait3A_76 : memref<1x80x128xi32, #tpu.memory_space<hbm>> -> memref<80x128xi32, #tpu.memory_space<hbm>>
      %dma_wait3A_78 = arith.constant 0 : i32
      %dma_wait3A_79 = arith.constant 0 : i32
      %dma_wait3A_80 = tpu.memref_slice %arg4[%add3A, %dma_wait3A_78, %dma_wait3A_79] : memref<32x80x128xi32, #tpu.memory_space<hbm>> -> memref<1x80x128xi32, #tpu.memory_space<hbm>>
      %dma_wait3A_81 = tpu.memref_squeeze %dma_wait3A_80 : memref<1x80x128xi32, #tpu.memory_space<hbm>> -> memref<80x128xi32, #tpu.memory_space<hbm>>
      tpu.wait_dma2 semaphore(%run_scoped3A : memref<!tpu.dma_semaphore, #tpu.memory_space<semaphore_mem>>) src(%dma_wait3A_81 : memref<80x128xi32, #tpu.memory_space<hbm>>) dst(%arg8 : memref<80x128xi32, #tpu.memory_space<vmem>>)
      tpu.yield
    }) : () -> ()
    %barrier3A = arith.constant 0 : index
    tpu.barrier barrier_id(%barrier3A)
    %dma_start3A = arith.constant 0 : i32
    %dma_start3A_3 = arith.constant 0 : i32
    %dma_start3A_4 = tpu.memref_slice %arg7[%dma_start3A, %dma_start3A_3] : memref<80x128xi32, #tpu.memory_space<vmem>> -> memref<1x128xi32, #tpu.memory_space<vmem>>
    %dma_start3A_5 = tpu.memref_squeeze %dma_start3A_4 : memref<1x128xi32, #tpu.memory_space<vmem>> -> memref<128xi32, #tpu.memory_space<vmem>>
    %dma_start3A_6 = arith.constant 0 : i32
    %dma_start3A_7 = arith.constant 0 : i32
    %dma_start3A_8 = tpu.memref_slice %arg2[%dma_start3A_6, %dma_start3A_7] : memref<10000x32xf32, #tpu.memory_space<hbm>> -> memref<10000x32xf32, #tpu.memory_space<hbm>>
    tpu.enqueue_indirect_dma source(%dma_start3A_8 : memref<10000x32xf32, #tpu.memory_space<hbm>>) target(%arg10 : memref<128x32xf32, #tpu.memory_space<vmem>>) offsets(%dma_start3A_5 : memref<128xi32, #tpu.memory_space<vmem>>) semaphore(%arg18 : memref<!tpu.dma_semaphore, #tpu.memory_space<semaphore_mem>>)
    %dma_start3A_9 = arith.constant 1 : i32
    %dma_start3A_10 = arith.constant 0 : i32
    %dma_start3A_11 = tpu.memref_slice %arg7[%dma_start3A_9, %dma_start3A_10] : memref<80x128xi32, #tpu.memory_space<vmem>> -> memref<1x128xi32, #tpu.memory_space<vmem>>
    %dma_start3A_12 = tpu.memref_squeeze %dma_start3A_11 : memref<1x128xi32, #tpu.memory_space<vmem>> -> memref<128xi32, #tpu.memory_space<vmem>>
    %dma_start3A_13 = arith.constant 0 : i32
    %dma_start3A_14 = arith.constant 0 : i32
    %dma_start3A_15 = tpu.memref_slice %arg2[%dma_start3A_13, %dma_start3A_14] : memref<10000x32xf32, #tpu.memory_space<hbm>> -> memref<10000x32xf32, #tpu.memory_space<hbm>>
    tpu.enqueue_indirect_dma source(%dma_start3A_15 : memref<10000x32xf32, #tpu.memory_space<hbm>>) target(%arg11 : memref<128x32xf32, #tpu.memory_space<vmem>>) offsets(%dma_start3A_12 : memref<128xi32, #tpu.memory_space<vmem>>) semaphore(%arg19 : memref<!tpu.dma_semaphore, #tpu.memory_space<semaphore_mem>>)
    %dma_start3A_16 = arith.constant 2 : i32
    %dma_start3A_17 = arith.constant 0 : i32
    %dma_start3A_18 = tpu.memref_slice %arg7[%dma_start3A_16, %dma_start3A_17] : memref<80x128xi32, #tpu.memory_space<vmem>> -> memref<1x128xi32, #tpu.memory_space<vmem>>
    %dma_start3A_19 = tpu.memref_squeeze %dma_start3A_18 : memref<1x128xi32, #tpu.memory_space<vmem>> -> memref<128xi32, #tpu.memory_space<vmem>>
    %dma_start3A_20 = arith.constant 0 : i32
    %dma_start3A_21 = arith.constant 0 : i32
    %dma_start3A_22 = tpu.memref_slice %arg2[%dma_start3A_20, %dma_start3A_21] : memref<10000x32xf32, #tpu.memory_space<hbm>> -> memref<10000x32xf32, #tpu.memory_space<hbm>>
    tpu.enqueue_indirect_dma source(%dma_start3A_22 : memref<10000x32xf32, #tpu.memory_space<hbm>>) target(%arg12 : memref<128x32xf32, #tpu.memory_space<vmem>>) offsets(%dma_start3A_19 : memref<128xi32, #tpu.memory_space<vmem>>) semaphore(%arg20 : memref<!tpu.dma_semaphore, #tpu.memory_space<semaphore_mem>>)
    %dma_start3A_23 = arith.constant 3 : i32
    %dma_start3A_24 = arith.constant 0 : i32
    %dma_start3A_25 = tpu.memref_slice %arg7[%dma_start3A_23, %dma_start3A_24] : memref<80x128xi32, #tpu.memory_space<vmem>> -> memref<1x128xi32, #tpu.memory_space<vmem>>
    %dma_start3A_26 = tpu.memref_squeeze %dma_start3A_25 : memref<1x128xi32, #tpu.memory_space<vmem>> -> memref<128xi32, #tpu.memory_space<vmem>>
    %dma_start3A_27 = arith.constant 0 : i32
    %dma_start3A_28 = arith.constant 0 : i32
    %dma_start3A_29 = tpu.memref_slice %arg2[%dma_start3A_27, %dma_start3A_28] : memref<10000x32xf32, #tpu.memory_space<hbm>> -> memref<10000x32xf32, #tpu.memory_space<hbm>>
    tpu.enqueue_indirect_dma source(%dma_start3A_29 : memref<10000x32xf32, #tpu.memory_space<hbm>>) target(%arg13 : memref<128x32xf32, #tpu.memory_space<vmem>>) offsets(%dma_start3A_26 : memref<128xi32, #tpu.memory_space<vmem>>) semaphore(%arg21 : memref<!tpu.dma_semaphore, #tpu.memory_space<semaphore_mem>>)
    %dma_start3A_30 = arith.constant 4 : i32
    %dma_start3A_31 = arith.constant 0 : i32
    %dma_start3A_32 = tpu.memref_slice %arg7[%dma_start3A_30, %dma_start3A_31] : memref<80x128xi32, #tpu.memory_space<vmem>> -> memref<1x128xi32, #tpu.memory_space<vmem>>
    %dma_start3A_33 = tpu.memref_squeeze %dma_start3A_32 : memref<1x128xi32, #tpu.memory_space<vmem>> -> memref<128xi32, #tpu.memory_space<vmem>>
    %dma_start3A_34 = arith.constant 0 : i32
    %dma_start3A_35 = arith.constant 0 : i32
    %dma_start3A_36 = tpu.memref_slice %arg2[%dma_start3A_34, %dma_start3A_35] : memref<10000x32xf32, #tpu.memory_space<hbm>> -> memref<10000x32xf32, #tpu.memory_space<hbm>>
    tpu.enqueue_indirect_dma source(%dma_start3A_36 : memref<10000x32xf32, #tpu.memory_space<hbm>>) target(%arg14 : memref<128x32xf32, #tpu.memory_space<vmem>>) offsets(%dma_start3A_33 : memref<128xi32, #tpu.memory_space<vmem>>) semaphore(%arg22 : memref<!tpu.dma_semaphore, #tpu.memory_space<semaphore_mem>>)
    %dma_start3A_37 = arith.constant 5 : i32
    %dma_start3A_38 = arith.constant 0 : i32
    %dma_start3A_39 = tpu.memref_slice %arg7[%dma_start3A_37, %dma_start3A_38] : memref<80x128xi32, #tpu.memory_space<vmem>> -> memref<1x128xi32, #tpu.memory_space<vmem>>
    %dma_start3A_40 = tpu.memref_squeeze %dma_start3A_39 : memref<1x128xi32, #tpu.memory_space<vmem>> -> memref<128xi32, #tpu.memory_space<vmem>>
    %dma_start3A_41 = arith.constant 0 : i32
    %dma_start3A_42 = arith.constant 0 : i32
    %dma_start3A_43 = tpu.memref_slice %arg2[%dma_start3A_41, %dma_start3A_42] : memref<10000x32xf32, #tpu.memory_space<hbm>> -> memref<10000x32xf32, #tpu.memory_space<hbm>>
    tpu.enqueue_indirect_dma source(%dma_start3A_43 : memref<10000x32xf32, #tpu.memory_space<hbm>>) target(%arg15 : memref<128x32xf32, #tpu.memory_space<vmem>>) offsets(%dma_start3A_40 : memref<128xi32, #tpu.memory_space<vmem>>) semaphore(%arg23 : memref<!tpu.dma_semaphore, #tpu.memory_space<semaphore_mem>>)
    %dma_start3A_44 = arith.constant 6 : i32
    %dma_start3A_45 = arith.constant 0 : i32
    %dma_start3A_46 = tpu.memref_slice %arg7[%dma_start3A_44, %dma_start3A_45] : memref<80x128xi32, #tpu.memory_space<vmem>> -> memref<1x128xi32, #tpu.memory_space<vmem>>
    %dma_start3A_47 = tpu.memref_squeeze %dma_start3A_46 : memref<1x128xi32, #tpu.memory_space<vmem>> -> memref<128xi32, #tpu.memory_space<vmem>>
    %dma_start3A_48 = arith.constant 0 : i32
    %dma_start3A_49 = arith.constant 0 : i32
    %dma_start3A_50 = tpu.memref_slice %arg2[%dma_start3A_48, %dma_start3A_49] : memref<10000x32xf32, #tpu.memory_space<hbm>> -> memref<10000x32xf32, #tpu.memory_space<hbm>>
    tpu.enqueue_indirect_dma source(%dma_start3A_50 : memref<10000x32xf32, #tpu.memory_space<hbm>>) target(%arg16 : memref<128x32xf32, #tpu.memory_space<vmem>>) offsets(%dma_start3A_47 : memref<128xi32, #tpu.memory_space<vmem>>) semaphore(%arg24 : memref<!tpu.dma_semaphore, #tpu.memory_space<semaphore_mem>>)
    %dma_start3A_51 = arith.constant 7 : i32
    %dma_start3A_52 = arith.constant 0 : i32
    %dma_start3A_53 = tpu.memref_slice %arg7[%dma_start3A_51, %dma_start3A_52] : memref<80x128xi32, #tpu.memory_space<vmem>> -> memref<1x128xi32, #tpu.memory_space<vmem>>
    %dma_start3A_54 = tpu.memref_squeeze %dma_start3A_53 : memref<1x128xi32, #tpu.memory_space<vmem>> -> memref<128xi32, #tpu.memory_space<vmem>>
    %dma_start3A_55 = arith.constant 0 : i32
    %dma_start3A_56 = arith.constant 0 : i32
    %dma_start3A_57 = tpu.memref_slice %arg2[%dma_start3A_55, %dma_start3A_56] : memref<10000x32xf32, #tpu.memory_space<hbm>> -> memref<10000x32xf32, #tpu.memory_space<hbm>>
    tpu.enqueue_indirect_dma source(%dma_start3A_57 : memref<10000x32xf32, #tpu.memory_space<hbm>>) target(%arg17 : memref<128x32xf32, #tpu.memory_space<vmem>>) offsets(%dma_start3A_54 : memref<128xi32, #tpu.memory_space<vmem>>) semaphore(%arg25 : memref<!tpu.dma_semaphore, #tpu.memory_space<semaphore_mem>>)
    %scan3A = arith.constant 0 : i32
    %scan3A_58 = arith.constant 0 : i32
    %scan3A_59 = arith.constant 10 : i32
    %scan3A_60 = arith.addi %scan3A_58, %scan3A_59 : i32
    %scan3A_61 = arith.constant 1 : i32
    scf.for %scan3A_67 = %scan3A_58 to %scan3A_60 step %scan3A_61  : i32 {
      %mul3A_68 = arith.constant 8 : i32
      %mul3A_69 = arith.muli %scan3A_67, %mul3A_68 : i32
      %add3A_70 = arith.constant 0 : i32
      %add3A_71 = arith.addi %mul3A_69, %add3A_70 : i32
      %dma_wait3A = arith.constant 0 : i32
      %dma_wait3A_72 = tpu.memref_slice %arg7[%add3A_71, %dma_wait3A] : memref<80x128xi32, #tpu.memory_space<vmem>> -> memref<1x128xi32, #tpu.memory_space<vmem>>
      %dma_wait3A_73 = tpu.memref_squeeze %dma_wait3A_72 : memref<1x128xi32, #tpu.memory_space<vmem>> -> memref<128xi32, #tpu.memory_space<vmem>>
      %dma_wait3A_74 = arith.constant 0 : i32
      %dma_wait3A_75 = arith.constant 0 : i32
      %dma_wait3A_76 = tpu.memref_slice %arg2[%dma_wait3A_74, %dma_wait3A_75] : memref<10000x32xf32, #tpu.memory_space<hbm>> -> memref<10000x32xf32, #tpu.memory_space<hbm>>
      tpu.wait_indirect_dma semaphore(%arg18 : memref<!tpu.dma_semaphore, #tpu.memory_space<semaphore_mem>>) src(%dma_wait3A_76 : memref<10000x32xf32, #tpu.memory_space<hbm>>) dst(%arg10 : memref<128x32xf32, #tpu.memory_space<vmem>>)
      "tpu.region"() ({
        %run_scoped3A = tpu.sem_alloc : memref<!tpu.dma_semaphore, #tpu.memory_space<semaphore_mem>>
        %dma_start3A_184 = arith.constant 0 : i32
        %dma_start3A_185 = tpu.memref_slice %arg8[%add3A_71, %dma_start3A_184] : memref<80x128xi32, #tpu.memory_space<vmem>> -> memref<1x128xi32, #tpu.memory_space<vmem>>
        %dma_start3A_186 = tpu.memref_squeeze %dma_start3A_185 : memref<1x128xi32, #tpu.memory_space<vmem>> -> memref<128xi32, #tpu.memory_space<vmem>>
        %dma_start3A_187 = arith.constant 0 : i32
        %dma_start3A_188 = arith.constant 0 : i32
        %dma_start3A_189 = tpu.memref_slice %arg9[%dma_start3A_187, %dma_start3A_188] : memref<10112x32xf32, #tpu.memory_space<vmem_shared>> -> memref<10112x32xf32, #tpu.memory_space<vmem_shared>>
        tpu.enqueue_indirect_dma source(%arg10 : memref<128x32xf32, #tpu.memory_space<vmem>>) target(%dma_start3A_189 : memref<10112x32xf32, #tpu.memory_space<vmem_shared>>) offsets(%dma_start3A_186 : memref<128xi32, #tpu.memory_space<vmem>>) semaphore(%run_scoped3A : memref<!tpu.dma_semaphore, #tpu.memory_space<semaphore_mem>>) {add = true}
        %dma_wait3A_190 = arith.constant 0 : i32
        %dma_wait3A_191 = tpu.memref_slice %arg8[%add3A_71, %dma_wait3A_190] : memref<80x128xi32, #tpu.memory_space<vmem>> -> memref<1x128xi32, #tpu.memory_space<vmem>>
        %dma_wait3A_192 = tpu.memref_squeeze %dma_wait3A_191 : memref<1x128xi32, #tpu.memory_space<vmem>> -> memref<128xi32, #tpu.memory_space<vmem>>
        %dma_wait3A_193 = arith.constant 0 : i32
        %dma_wait3A_194 = arith.constant 0 : i32
        %dma_wait3A_195 = tpu.memref_slice %arg9[%dma_wait3A_193, %dma_wait3A_194] : memref<10112x32xf32, #tpu.memory_space<vmem_shared>> -> memref<10112x32xf32, #tpu.memory_space<vmem_shared>>
        tpu.wait_indirect_dma semaphore(%run_scoped3A : memref<!tpu.dma_semaphore, #tpu.memory_space<semaphore_mem>>) src(%arg10 : memref<128x32xf32, #tpu.memory_space<vmem>>) dst(%dma_wait3A_195 : memref<10112x32xf32, #tpu.memory_space<vmem_shared>>)
        tpu.yield
      }) : () -> ()
      %lt3A = arith.constant 9 : i32
      %lt3A_77 = arith.cmpi slt, %scan3A_67, %lt3A : i32
      %convert_element_type3A = arith.extui %lt3A_77 : i1 to i32
      %cond3A = arith.constant 0 : i32
      %cond3A_78 = arith.cmpi ne, %convert_element_type3A, %cond3A : i32
      scf.if %cond3A_78 {
        %add3A_184 = arith.constant 8 : i32
        %add3A_185 = arith.addi %add3A_71, %add3A_184 : i32
        %dma_start3A_186 = arith.constant 0 : i32
        %dma_start3A_187 = tpu.memref_slice %arg7[%add3A_185, %dma_start3A_186] : memref<80x128xi32, #tpu.memory_space<vmem>> -> memref<1x128xi32, #tpu.memory_space<vmem>>
        %dma_start3A_188 = tpu.memref_squeeze %dma_start3A_187 : memref<1x128xi32, #tpu.memory_space<vmem>> -> memref<128xi32, #tpu.memory_space<vmem>>
        %dma_start3A_189 = arith.constant 0 : i32
        %dma_start3A_190 = arith.constant 0 : i32
        %dma_start3A_191 = tpu.memref_slice %arg2[%dma_start3A_189, %dma_start3A_190] : memref<10000x32xf32, #tpu.memory_space<hbm>> -> memref<10000x32xf32, #tpu.memory_space<hbm>>
        tpu.enqueue_indirect_dma source(%dma_start3A_191 : memref<10000x32xf32, #tpu.memory_space<hbm>>) target(%arg10 : memref<128x32xf32, #tpu.memory_space<vmem>>) offsets(%dma_start3A_188 : memref<128xi32, #tpu.memory_space<vmem>>) semaphore(%arg18 : memref<!tpu.dma_semaphore, #tpu.memory_space<semaphore_mem>>)
      } else {
      }
      %mul3A_79 = arith.constant 8 : i32
      %mul3A_80 = arith.muli %scan3A_67, %mul3A_79 : i32
      %add3A_81 = arith.constant 1 : i32
      %add3A_82 = arith.addi %mul3A_80, %add3A_81 : i32
      %dma_wait3A_83 = arith.constant 0 : i32
      %dma_wait3A_84 = tpu.memref_slice %arg7[%add3A_82, %dma_wait3A_83] : memref<80x128xi32, #tpu.memory_space<vmem>> -> memref<1x128xi32, #tpu.memory_space<vmem>>
      %dma_wait3A_85 = tpu.memref_squeeze %dma_wait3A_84 : memref<1x128xi32, #tpu.memory_space<vmem>> -> memref<128xi32, #tpu.memory_space<vmem>>
      %dma_wait3A_86 = arith.constant 0 : i32
      %dma_wait3A_87 = arith.constant 0 : i32
      %dma_wait3A_88 = tpu.memref_slice %arg2[%dma_wait3A_86, %dma_wait3A_87] : memref<10000x32xf32, #tpu.memory_space<hbm>> -> memref<10000x32xf32, #tpu.memory_space<hbm>>
      tpu.wait_indirect_dma semaphore(%arg19 : memref<!tpu.dma_semaphore, #tpu.memory_space<semaphore_mem>>) src(%dma_wait3A_88 : memref<10000x32xf32, #tpu.memory_space<hbm>>) dst(%arg11 : memref<128x32xf32, #tpu.memory_space<vmem>>)
      "tpu.region"() ({
        %run_scoped3A = tpu.sem_alloc : memref<!tpu.dma_semaphore, #tpu.memory_space<semaphore_mem>>
        %dma_start3A_184 = arith.constant 0 : i32
        %dma_start3A_185 = tpu.memref_slice %arg8[%add3A_82, %dma_start3A_184] : memref<80x128xi32, #tpu.memory_space<vmem>> -> memref<1x128xi32, #tpu.memory_space<vmem>>
        %dma_start3A_186 = tpu.memref_squeeze %dma_start3A_185 : memref<1x128xi32, #tpu.memory_space<vmem>> -> memref<128xi32, #tpu.memory_space<vmem>>
        %dma_start3A_187 = arith.constant 0 : i32
        %dma_start3A_188 = arith.constant 0 : i32
        %dma_start3A_189 = tpu.memref_slice %arg9[%dma_start3A_187, %dma_start3A_188] : memref<10112x32xf32, #tpu.memory_space<vmem_shared>> -> memref<10112x32xf32, #tpu.memory_space<vmem_shared>>
        tpu.enqueue_indirect_dma source(%arg11 : memref<128x32xf32, #tpu.memory_space<vmem>>) target(%dma_start3A_189 : memref<10112x32xf32, #tpu.memory_space<vmem_shared>>) offsets(%dma_start3A_186 : memref<128xi32, #tpu.memory_space<vmem>>) semaphore(%run_scoped3A : memref<!tpu.dma_semaphore, #tpu.memory_space<semaphore_mem>>) {add = true}
        %dma_wait3A_190 = arith.constant 0 : i32
        %dma_wait3A_191 = tpu.memref_slice %arg8[%add3A_82, %dma_wait3A_190] : memref<80x128xi32, #tpu.memory_space<vmem>> -> memref<1x128xi32, #tpu.memory_space<vmem>>
        %dma_wait3A_192 = tpu.memref_squeeze %dma_wait3A_191 : memref<1x128xi32, #tpu.memory_space<vmem>> -> memref<128xi32, #tpu.memory_space<vmem>>
        %dma_wait3A_193 = arith.constant 0 : i32
        %dma_wait3A_194 = arith.constant 0 : i32
        %dma_wait3A_195 = tpu.memref_slice %arg9[%dma_wait3A_193, %dma_wait3A_194] : memref<10112x32xf32, #tpu.memory_space<vmem_shared>> -> memref<10112x32xf32, #tpu.memory_space<vmem_shared>>
        tpu.wait_indirect_dma semaphore(%run_scoped3A : memref<!tpu.dma_semaphore, #tpu.memory_space<semaphore_mem>>) src(%arg11 : memref<128x32xf32, #tpu.memory_space<vmem>>) dst(%dma_wait3A_195 : memref<10112x32xf32, #tpu.memory_space<vmem_shared>>)
        tpu.yield
      }) : () -> ()
      %lt3A_89 = arith.constant 9 : i32
      %lt3A_90 = arith.cmpi slt, %scan3A_67, %lt3A_89 : i32
      %convert_element_type3A_91 = arith.extui %lt3A_90 : i1 to i32
      %cond3A_92 = arith.constant 0 : i32
      %cond3A_93 = arith.cmpi ne, %convert_element_type3A_91, %cond3A_92 : i32
      scf.if %cond3A_93 {
        %add3A_184 = arith.constant 8 : i32
        %add3A_185 = arith.addi %add3A_82, %add3A_184 : i32
        %dma_start3A_186 = arith.constant 0 : i32
        %dma_start3A_187 = tpu.memref_slice %arg7[%add3A_185, %dma_start3A_186] : memref<80x128xi32, #tpu.memory_space<vmem>> -> memref<1x128xi32, #tpu.memory_space<vmem>>
        %dma_start3A_188 = tpu.memref_squeeze %dma_start3A_187 : memref<1x128xi32, #tpu.memory_space<vmem>> -> memref<128xi32, #tpu.memory_space<vmem>>
        %dma_start3A_189 = arith.constant 0 : i32
        %dma_start3A_190 = arith.constant 0 : i32
        %dma_start3A_191 = tpu.memref_slice %arg2[%dma_start3A_189, %dma_start3A_190] : memref<10000x32xf32, #tpu.memory_space<hbm>> -> memref<10000x32xf32, #tpu.memory_space<hbm>>
        tpu.enqueue_indirect_dma source(%dma_start3A_191 : memref<10000x32xf32, #tpu.memory_space<hbm>>) target(%arg11 : memref<128x32xf32, #tpu.memory_space<vmem>>) offsets(%dma_start3A_188 : memref<128xi32, #tpu.memory_space<vmem>>) semaphore(%arg19 : memref<!tpu.dma_semaphore, #tpu.memory_space<semaphore_mem>>)
      } else {
      }
      %mul3A_94 = arith.constant 8 : i32
      %mul3A_95 = arith.muli %scan3A_67, %mul3A_94 : i32
      %add3A_96 = arith.constant 2 : i32
      %add3A_97 = arith.addi %mul3A_95, %add3A_96 : i32
      %dma_wait3A_98 = arith.constant 0 : i32
      %dma_wait3A_99 = tpu.memref_slice %arg7[%add3A_97, %dma_wait3A_98] : memref<80x128xi32, #tpu.memory_space<vmem>> -> memref<1x128xi32, #tpu.memory_space<vmem>>
      %dma_wait3A_100 = tpu.memref_squeeze %dma_wait3A_99 : memref<1x128xi32, #tpu.memory_space<vmem>> -> memref<128xi32, #tpu.memory_space<vmem>>
      %dma_wait3A_101 = arith.constant 0 : i32
      %dma_wait3A_102 = arith.constant 0 : i32
      %dma_wait3A_103 = tpu.memref_slice %arg2[%dma_wait3A_101, %dma_wait3A_102] : memref<10000x32xf32, #tpu.memory_space<hbm>> -> memref<10000x32xf32, #tpu.memory_space<hbm>>
      tpu.wait_indirect_dma semaphore(%arg20 : memref<!tpu.dma_semaphore, #tpu.memory_space<semaphore_mem>>) src(%dma_wait3A_103 : memref<10000x32xf32, #tpu.memory_space<hbm>>) dst(%arg12 : memref<128x32xf32, #tpu.memory_space<vmem>>)
      "tpu.region"() ({
        %run_scoped3A = tpu.sem_alloc : memref<!tpu.dma_semaphore, #tpu.memory_space<semaphore_mem>>
        %dma_start3A_184 = arith.constant 0 : i32
        %dma_start3A_185 = tpu.memref_slice %arg8[%add3A_97, %dma_start3A_184] : memref<80x128xi32, #tpu.memory_space<vmem>> -> memref<1x128xi32, #tpu.memory_space<vmem>>
        %dma_start3A_186 = tpu.memref_squeeze %dma_start3A_185 : memref<1x128xi32, #tpu.memory_space<vmem>> -> memref<128xi32, #tpu.memory_space<vmem>>
        %dma_start3A_187 = arith.constant 0 : i32
        %dma_start3A_188 = arith.constant 0 : i32
        %dma_start3A_189 = tpu.memref_slice %arg9[%dma_start3A_187, %dma_start3A_188] : memref<10112x32xf32, #tpu.memory_space<vmem_shared>> -> memref<10112x32xf32, #tpu.memory_space<vmem_shared>>
        tpu.enqueue_indirect_dma source(%arg12 : memref<128x32xf32, #tpu.memory_space<vmem>>) target(%dma_start3A_189 : memref<10112x32xf32, #tpu.memory_space<vmem_shared>>) offsets(%dma_start3A_186 : memref<128xi32, #tpu.memory_space<vmem>>) semaphore(%run_scoped3A : memref<!tpu.dma_semaphore, #tpu.memory_space<semaphore_mem>>) {add = true}
        %dma_wait3A_190 = arith.constant 0 : i32
        %dma_wait3A_191 = tpu.memref_slice %arg8[%add3A_97, %dma_wait3A_190] : memref<80x128xi32, #tpu.memory_space<vmem>> -> memref<1x128xi32, #tpu.memory_space<vmem>>
        %dma_wait3A_192 = tpu.memref_squeeze %dma_wait3A_191 : memref<1x128xi32, #tpu.memory_space<vmem>> -> memref<128xi32, #tpu.memory_space<vmem>>
        %dma_wait3A_193 = arith.constant 0 : i32
        %dma_wait3A_194 = arith.constant 0 : i32
        %dma_wait3A_195 = tpu.memref_slice %arg9[%dma_wait3A_193, %dma_wait3A_194] : memref<10112x32xf32, #tpu.memory_space<vmem_shared>> -> memref<10112x32xf32, #tpu.memory_space<vmem_shared>>
        tpu.wait_indirect_dma semaphore(%run_scoped3A : memref<!tpu.dma_semaphore, #tpu.memory_space<semaphore_mem>>) src(%arg12 : memref<128x32xf32, #tpu.memory_space<vmem>>) dst(%dma_wait3A_195 : memref<10112x32xf32, #tpu.memory_space<vmem_shared>>)
        tpu.yield
      }) : () -> ()
      %lt3A_104 = arith.constant 9 : i32
      %lt3A_105 = arith.cmpi slt, %scan3A_67, %lt3A_104 : i32
      %convert_element_type3A_106 = arith.extui %lt3A_105 : i1 to i32
      %cond3A_107 = arith.constant 0 : i32
      %cond3A_108 = arith.cmpi ne, %convert_element_type3A_106, %cond3A_107 : i32
      scf.if %cond3A_108 {
        %add3A_184 = arith.constant 8 : i32
        %add3A_185 = arith.addi %add3A_97, %add3A_184 : i32
        %dma_start3A_186 = arith.constant 0 : i32
        %dma_start3A_187 = tpu.memref_slice %arg7[%add3A_185, %dma_start3A_186] : memref<80x128xi32, #tpu.memory_space<vmem>> -> memref<1x128xi32, #tpu.memory_space<vmem>>
        %dma_start3A_188 = tpu.memref_squeeze %dma_start3A_187 : memref<1x128xi32, #tpu.memory_space<vmem>> -> memref<128xi32, #tpu.memory_space<vmem>>
        %dma_start3A_189 = arith.constant 0 : i32
        %dma_start3A_190 = arith.constant 0 : i32
        %dma_start3A_191 = tpu.memref_slice %arg2[%dma_start3A_189, %dma_start3A_190] : memref<10000x32xf32, #tpu.memory_space<hbm>> -> memref<10000x32xf32, #tpu.memory_space<hbm>>
        tpu.enqueue_indirect_dma source(%dma_start3A_191 : memref<10000x32xf32, #tpu.memory_space<hbm>>) target(%arg12 : memref<128x32xf32, #tpu.memory_space<vmem>>) offsets(%dma_start3A_188 : memref<128xi32, #tpu.memory_space<vmem>>) semaphore(%arg20 : memref<!tpu.dma_semaphore, #tpu.memory_space<semaphore_mem>>)
      } else {
      }
      %mul3A_109 = arith.constant 8 : i32
      %mul3A_110 = arith.muli %scan3A_67, %mul3A_109 : i32
      %add3A_111 = arith.constant 3 : i32
      %add3A_112 = arith.addi %mul3A_110, %add3A_111 : i32
      %dma_wait3A_113 = arith.constant 0 : i32
      %dma_wait3A_114 = tpu.memref_slice %arg7[%add3A_112, %dma_wait3A_113] : memref<80x128xi32, #tpu.memory_space<vmem>> -> memref<1x128xi32, #tpu.memory_space<vmem>>
      %dma_wait3A_115 = tpu.memref_squeeze %dma_wait3A_114 : memref<1x128xi32, #tpu.memory_space<vmem>> -> memref<128xi32, #tpu.memory_space<vmem>>
      %dma_wait3A_116 = arith.constant 0 : i32
      %dma_wait3A_117 = arith.constant 0 : i32
      %dma_wait3A_118 = tpu.memref_slice %arg2[%dma_wait3A_116, %dma_wait3A_117] : memref<10000x32xf32, #tpu.memory_space<hbm>> -> memref<10000x32xf32, #tpu.memory_space<hbm>>
      tpu.wait_indirect_dma semaphore(%arg21 : memref<!tpu.dma_semaphore, #tpu.memory_space<semaphore_mem>>) src(%dma_wait3A_118 : memref<10000x32xf32, #tpu.memory_space<hbm>>) dst(%arg13 : memref<128x32xf32, #tpu.memory_space<vmem>>)
      "tpu.region"() ({
        %run_scoped3A = tpu.sem_alloc : memref<!tpu.dma_semaphore, #tpu.memory_space<semaphore_mem>>
        %dma_start3A_184 = arith.constant 0 : i32
        %dma_start3A_185 = tpu.memref_slice %arg8[%add3A_112, %dma_start3A_184] : memref<80x128xi32, #tpu.memory_space<vmem>> -> memref<1x128xi32, #tpu.memory_space<vmem>>
        %dma_start3A_186 = tpu.memref_squeeze %dma_start3A_185 : memref<1x128xi32, #tpu.memory_space<vmem>> -> memref<128xi32, #tpu.memory_space<vmem>>
        %dma_start3A_187 = arith.constant 0 : i32
        %dma_start3A_188 = arith.constant 0 : i32
        %dma_start3A_189 = tpu.memref_slice %arg9[%dma_start3A_187, %dma_start3A_188] : memref<10112x32xf32, #tpu.memory_space<vmem_shared>> -> memref<10112x32xf32, #tpu.memory_space<vmem_shared>>
        tpu.enqueue_indirect_dma source(%arg13 : memref<128x32xf32, #tpu.memory_space<vmem>>) target(%dma_start3A_189 : memref<10112x32xf32, #tpu.memory_space<vmem_shared>>) offsets(%dma_start3A_186 : memref<128xi32, #tpu.memory_space<vmem>>) semaphore(%run_scoped3A : memref<!tpu.dma_semaphore, #tpu.memory_space<semaphore_mem>>) {add = true}
        %dma_wait3A_190 = arith.constant 0 : i32
        %dma_wait3A_191 = tpu.memref_slice %arg8[%add3A_112, %dma_wait3A_190] : memref<80x128xi32, #tpu.memory_space<vmem>> -> memref<1x128xi32, #tpu.memory_space<vmem>>
        %dma_wait3A_192 = tpu.memref_squeeze %dma_wait3A_191 : memref<1x128xi32, #tpu.memory_space<vmem>> -> memref<128xi32, #tpu.memory_space<vmem>>
        %dma_wait3A_193 = arith.constant 0 : i32
        %dma_wait3A_194 = arith.constant 0 : i32
        %dma_wait3A_195 = tpu.memref_slice %arg9[%dma_wait3A_193, %dma_wait3A_194] : memref<10112x32xf32, #tpu.memory_space<vmem_shared>> -> memref<10112x32xf32, #tpu.memory_space<vmem_shared>>
        tpu.wait_indirect_dma semaphore(%run_scoped3A : memref<!tpu.dma_semaphore, #tpu.memory_space<semaphore_mem>>) src(%arg13 : memref<128x32xf32, #tpu.memory_space<vmem>>) dst(%dma_wait3A_195 : memref<10112x32xf32, #tpu.memory_space<vmem_shared>>)
        tpu.yield
      }) : () -> ()
      %lt3A_119 = arith.constant 9 : i32
      %lt3A_120 = arith.cmpi slt, %scan3A_67, %lt3A_119 : i32
      %convert_element_type3A_121 = arith.extui %lt3A_120 : i1 to i32
      %cond3A_122 = arith.constant 0 : i32
      %cond3A_123 = arith.cmpi ne, %convert_element_type3A_121, %cond3A_122 : i32
      scf.if %cond3A_123 {
        %add3A_184 = arith.constant 8 : i32
        %add3A_185 = arith.addi %add3A_112, %add3A_184 : i32
        %dma_start3A_186 = arith.constant 0 : i32
        %dma_start3A_187 = tpu.memref_slice %arg7[%add3A_185, %dma_start3A_186] : memref<80x128xi32, #tpu.memory_space<vmem>> -> memref<1x128xi32, #tpu.memory_space<vmem>>
        %dma_start3A_188 = tpu.memref_squeeze %dma_start3A_187 : memref<1x128xi32, #tpu.memory_space<vmem>> -> memref<128xi32, #tpu.memory_space<vmem>>
        %dma_start3A_189 = arith.constant 0 : i32
        %dma_start3A_190 = arith.constant 0 : i32
        %dma_start3A_191 = tpu.memref_slice %arg2[%dma_start3A_189, %dma_start3A_190] : memref<10000x32xf32, #tpu.memory_space<hbm>> -> memref<10000x32xf32, #tpu.memory_space<hbm>>
        tpu.enqueue_indirect_dma source(%dma_start3A_191 : memref<10000x32xf32, #tpu.memory_space<hbm>>) target(%arg13 : memref<128x32xf32, #tpu.memory_space<vmem>>) offsets(%dma_start3A_188 : memref<128xi32, #tpu.memory_space<vmem>>) semaphore(%arg21 : memref<!tpu.dma_semaphore, #tpu.memory_space<semaphore_mem>>)
      } else {
      }
      %mul3A_124 = arith.constant 8 : i32
      %mul3A_125 = arith.muli %scan3A_67, %mul3A_124 : i32
      %add3A_126 = arith.constant 4 : i32
      %add3A_127 = arith.addi %mul3A_125, %add3A_126 : i32
      %dma_wait3A_128 = arith.constant 0 : i32
      %dma_wait3A_129 = tpu.memref_slice %arg7[%add3A_127, %dma_wait3A_128] : memref<80x128xi32, #tpu.memory_space<vmem>> -> memref<1x128xi32, #tpu.memory_space<vmem>>
      %dma_wait3A_130 = tpu.memref_squeeze %dma_wait3A_129 : memref<1x128xi32, #tpu.memory_space<vmem>> -> memref<128xi32, #tpu.memory_space<vmem>>
      %dma_wait3A_131 = arith.constant 0 : i32
      %dma_wait3A_132 = arith.constant 0 : i32
      %dma_wait3A_133 = tpu.memref_slice %arg2[%dma_wait3A_131, %dma_wait3A_132] : memref<10000x32xf32, #tpu.memory_space<hbm>> -> memref<10000x32xf32, #tpu.memory_space<hbm>>
      tpu.wait_indirect_dma semaphore(%arg22 : memref<!tpu.dma_semaphore, #tpu.memory_space<semaphore_mem>>) src(%dma_wait3A_133 : memref<10000x32xf32, #tpu.memory_space<hbm>>) dst(%arg14 : memref<128x32xf32, #tpu.memory_space<vmem>>)
      "tpu.region"() ({
        %run_scoped3A = tpu.sem_alloc : memref<!tpu.dma_semaphore, #tpu.memory_space<semaphore_mem>>
        %dma_start3A_184 = arith.constant 0 : i32
        %dma_start3A_185 = tpu.memref_slice %arg8[%add3A_127, %dma_start3A_184] : memref<80x128xi32, #tpu.memory_space<vmem>> -> memref<1x128xi32, #tpu.memory_space<vmem>>
        %dma_start3A_186 = tpu.memref_squeeze %dma_start3A_185 : memref<1x128xi32, #tpu.memory_space<vmem>> -> memref<128xi32, #tpu.memory_space<vmem>>
        %dma_start3A_187 = arith.constant 0 : i32
        %dma_start3A_188 = arith.constant 0 : i32
        %dma_start3A_189 = tpu.memref_slice %arg9[%dma_start3A_187, %dma_start3A_188] : memref<10112x32xf32, #tpu.memory_space<vmem_shared>> -> memref<10112x32xf32, #tpu.memory_space<vmem_shared>>
        tpu.enqueue_indirect_dma source(%arg14 : memref<128x32xf32, #tpu.memory_space<vmem>>) target(%dma_start3A_189 : memref<10112x32xf32, #tpu.memory_space<vmem_shared>>) offsets(%dma_start3A_186 : memref<128xi32, #tpu.memory_space<vmem>>) semaphore(%run_scoped3A : memref<!tpu.dma_semaphore, #tpu.memory_space<semaphore_mem>>) {add = true}
        %dma_wait3A_190 = arith.constant 0 : i32
        %dma_wait3A_191 = tpu.memref_slice %arg8[%add3A_127, %dma_wait3A_190] : memref<80x128xi32, #tpu.memory_space<vmem>> -> memref<1x128xi32, #tpu.memory_space<vmem>>
        %dma_wait3A_192 = tpu.memref_squeeze %dma_wait3A_191 : memref<1x128xi32, #tpu.memory_space<vmem>> -> memref<128xi32, #tpu.memory_space<vmem>>
        %dma_wait3A_193 = arith.constant 0 : i32
        %dma_wait3A_194 = arith.constant 0 : i32
        %dma_wait3A_195 = tpu.memref_slice %arg9[%dma_wait3A_193, %dma_wait3A_194] : memref<10112x32xf32, #tpu.memory_space<vmem_shared>> -> memref<10112x32xf32, #tpu.memory_space<vmem_shared>>
        tpu.wait_indirect_dma semaphore(%run_scoped3A : memref<!tpu.dma_semaphore, #tpu.memory_space<semaphore_mem>>) src(%arg14 : memref<128x32xf32, #tpu.memory_space<vmem>>) dst(%dma_wait3A_195 : memref<10112x32xf32, #tpu.memory_space<vmem_shared>>)
        tpu.yield
      }) : () -> ()
      %lt3A_134 = arith.constant 9 : i32
      %lt3A_135 = arith.cmpi slt, %scan3A_67, %lt3A_134 : i32
      %convert_element_type3A_136 = arith.extui %lt3A_135 : i1 to i32
      %cond3A_137 = arith.constant 0 : i32
      %cond3A_138 = arith.cmpi ne, %convert_element_type3A_136, %cond3A_137 : i32
      scf.if %cond3A_138 {
        %add3A_184 = arith.constant 8 : i32
        %add3A_185 = arith.addi %add3A_127, %add3A_184 : i32
        %dma_start3A_186 = arith.constant 0 : i32
        %dma_start3A_187 = tpu.memref_slice %arg7[%add3A_185, %dma_start3A_186] : memref<80x128xi32, #tpu.memory_space<vmem>> -> memref<1x128xi32, #tpu.memory_space<vmem>>
        %dma_start3A_188 = tpu.memref_squeeze %dma_start3A_187 : memref<1x128xi32, #tpu.memory_space<vmem>> -> memref<128xi32, #tpu.memory_space<vmem>>
        %dma_start3A_189 = arith.constant 0 : i32
        %dma_start3A_190 = arith.constant 0 : i32
        %dma_start3A_191 = tpu.memref_slice %arg2[%dma_start3A_189, %dma_start3A_190] : memref<10000x32xf32, #tpu.memory_space<hbm>> -> memref<10000x32xf32, #tpu.memory_space<hbm>>
        tpu.enqueue_indirect_dma source(%dma_start3A_191 : memref<10000x32xf32, #tpu.memory_space<hbm>>) target(%arg14 : memref<128x32xf32, #tpu.memory_space<vmem>>) offsets(%dma_start3A_188 : memref<128xi32, #tpu.memory_space<vmem>>) semaphore(%arg22 : memref<!tpu.dma_semaphore, #tpu.memory_space<semaphore_mem>>)
      } else {
      }
      %mul3A_139 = arith.constant 8 : i32
      %mul3A_140 = arith.muli %scan3A_67, %mul3A_139 : i32
      %add3A_141 = arith.constant 5 : i32
      %add3A_142 = arith.addi %mul3A_140, %add3A_141 : i32
      %dma_wait3A_143 = arith.constant 0 : i32
      %dma_wait3A_144 = tpu.memref_slice %arg7[%add3A_142, %dma_wait3A_143] : memref<80x128xi32, #tpu.memory_space<vmem>> -> memref<1x128xi32, #tpu.memory_space<vmem>>
      %dma_wait3A_145 = tpu.memref_squeeze %dma_wait3A_144 : memref<1x128xi32, #tpu.memory_space<vmem>> -> memref<128xi32, #tpu.memory_space<vmem>>
      %dma_wait3A_146 = arith.constant 0 : i32
      %dma_wait3A_147 = arith.constant 0 : i32
      %dma_wait3A_148 = tpu.memref_slice %arg2[%dma_wait3A_146, %dma_wait3A_147] : memref<10000x32xf32, #tpu.memory_space<hbm>> -> memref<10000x32xf32, #tpu.memory_space<hbm>>
      tpu.wait_indirect_dma semaphore(%arg23 : memref<!tpu.dma_semaphore, #tpu.memory_space<semaphore_mem>>) src(%dma_wait3A_148 : memref<10000x32xf32, #tpu.memory_space<hbm>>) dst(%arg15 : memref<128x32xf32, #tpu.memory_space<vmem>>)
      "tpu.region"() ({
        %run_scoped3A = tpu.sem_alloc : memref<!tpu.dma_semaphore, #tpu.memory_space<semaphore_mem>>
        %dma_start3A_184 = arith.constant 0 : i32
        %dma_start3A_185 = tpu.memref_slice %arg8[%add3A_142, %dma_start3A_184] : memref<80x128xi32, #tpu.memory_space<vmem>> -> memref<1x128xi32, #tpu.memory_space<vmem>>
        %dma_start3A_186 = tpu.memref_squeeze %dma_start3A_185 : memref<1x128xi32, #tpu.memory_space<vmem>> -> memref<128xi32, #tpu.memory_space<vmem>>
        %dma_start3A_187 = arith.constant 0 : i32
        %dma_start3A_188 = arith.constant 0 : i32
        %dma_start3A_189 = tpu.memref_slice %arg9[%dma_start3A_187, %dma_start3A_188] : memref<10112x32xf32, #tpu.memory_space<vmem_shared>> -> memref<10112x32xf32, #tpu.memory_space<vmem_shared>>
        tpu.enqueue_indirect_dma source(%arg15 : memref<128x32xf32, #tpu.memory_space<vmem>>) target(%dma_start3A_189 : memref<10112x32xf32, #tpu.memory_space<vmem_shared>>) offsets(%dma_start3A_186 : memref<128xi32, #tpu.memory_space<vmem>>) semaphore(%run_scoped3A : memref<!tpu.dma_semaphore, #tpu.memory_space<semaphore_mem>>) {add = true}
        %dma_wait3A_190 = arith.constant 0 : i32
        %dma_wait3A_191 = tpu.memref_slice %arg8[%add3A_142, %dma_wait3A_190] : memref<80x128xi32, #tpu.memory_space<vmem>> -> memref<1x128xi32, #tpu.memory_space<vmem>>
        %dma_wait3A_192 = tpu.memref_squeeze %dma_wait3A_191 : memref<1x128xi32, #tpu.memory_space<vmem>> -> memref<128xi32, #tpu.memory_space<vmem>>
        %dma_wait3A_193 = arith.constant 0 : i32
        %dma_wait3A_194 = arith.constant 0 : i32
        %dma_wait3A_195 = tpu.memref_slice %arg9[%dma_wait3A_193, %dma_wait3A_194] : memref<10112x32xf32, #tpu.memory_space<vmem_shared>> -> memref<10112x32xf32, #tpu.memory_space<vmem_shared>>
        tpu.wait_indirect_dma semaphore(%run_scoped3A : memref<!tpu.dma_semaphore, #tpu.memory_space<semaphore_mem>>) src(%arg15 : memref<128x32xf32, #tpu.memory_space<vmem>>) dst(%dma_wait3A_195 : memref<10112x32xf32, #tpu.memory_space<vmem_shared>>)
        tpu.yield
      }) : () -> ()
      %lt3A_149 = arith.constant 9 : i32
      %lt3A_150 = arith.cmpi slt, %scan3A_67, %lt3A_149 : i32
      %convert_element_type3A_151 = arith.extui %lt3A_150 : i1 to i32
      %cond3A_152 = arith.constant 0 : i32
      %cond3A_153 = arith.cmpi ne, %convert_element_type3A_151, %cond3A_152 : i32
      scf.if %cond3A_153 {
        %add3A_184 = arith.constant 8 : i32
        %add3A_185 = arith.addi %add3A_142, %add3A_184 : i32
        %dma_start3A_186 = arith.constant 0 : i32
        %dma_start3A_187 = tpu.memref_slice %arg7[%add3A_185, %dma_start3A_186] : memref<80x128xi32, #tpu.memory_space<vmem>> -> memref<1x128xi32, #tpu.memory_space<vmem>>
        %dma_start3A_188 = tpu.memref_squeeze %dma_start3A_187 : memref<1x128xi32, #tpu.memory_space<vmem>> -> memref<128xi32, #tpu.memory_space<vmem>>
        %dma_start3A_189 = arith.constant 0 : i32
        %dma_start3A_190 = arith.constant 0 : i32
        %dma_start3A_191 = tpu.memref_slice %arg2[%dma_start3A_189, %dma_start3A_190] : memref<10000x32xf32, #tpu.memory_space<hbm>> -> memref<10000x32xf32, #tpu.memory_space<hbm>>
        tpu.enqueue_indirect_dma source(%dma_start3A_191 : memref<10000x32xf32, #tpu.memory_space<hbm>>) target(%arg15 : memref<128x32xf32, #tpu.memory_space<vmem>>) offsets(%dma_start3A_188 : memref<128xi32, #tpu.memory_space<vmem>>) semaphore(%arg23 : memref<!tpu.dma_semaphore, #tpu.memory_space<semaphore_mem>>)
      } else {
      }
      %mul3A_154 = arith.constant 8 : i32
      %mul3A_155 = arith.muli %scan3A_67, %mul3A_154 : i32
      %add3A_156 = arith.constant 6 : i32
      %add3A_157 = arith.addi %mul3A_155, %add3A_156 : i32
      %dma_wait3A_158 = arith.constant 0 : i32
      %dma_wait3A_159 = tpu.memref_slice %arg7[%add3A_157, %dma_wait3A_158] : memref<80x128xi32, #tpu.memory_space<vmem>> -> memref<1x128xi32, #tpu.memory_space<vmem>>
      %dma_wait3A_160 = tpu.memref_squeeze %dma_wait3A_159 : memref<1x128xi32, #tpu.memory_space<vmem>> -> memref<128xi32, #tpu.memory_space<vmem>>
      %dma_wait3A_161 = arith.constant 0 : i32
      %dma_wait3A_162 = arith.constant 0 : i32
      %dma_wait3A_163 = tpu.memref_slice %arg2[%dma_wait3A_161, %dma_wait3A_162] : memref<10000x32xf32, #tpu.memory_space<hbm>> -> memref<10000x32xf32, #tpu.memory_space<hbm>>
      tpu.wait_indirect_dma semaphore(%arg24 : memref<!tpu.dma_semaphore, #tpu.memory_space<semaphore_mem>>) src(%dma_wait3A_163 : memref<10000x32xf32, #tpu.memory_space<hbm>>) dst(%arg16 : memref<128x32xf32, #tpu.memory_space<vmem>>)
      "tpu.region"() ({
        %run_scoped3A = tpu.sem_alloc : memref<!tpu.dma_semaphore, #tpu.memory_space<semaphore_mem>>
        %dma_start3A_184 = arith.constant 0 : i32
        %dma_start3A_185 = tpu.memref_slice %arg8[%add3A_157, %dma_start3A_184] : memref<80x128xi32, #tpu.memory_space<vmem>> -> memref<1x128xi32, #tpu.memory_space<vmem>>
        %dma_start3A_186 = tpu.memref_squeeze %dma_start3A_185 : memref<1x128xi32, #tpu.memory_space<vmem>> -> memref<128xi32, #tpu.memory_space<vmem>>
        %dma_start3A_187 = arith.constant 0 : i32
        %dma_start3A_188 = arith.constant 0 : i32
        %dma_start3A_189 = tpu.memref_slice %arg9[%dma_start3A_187, %dma_start3A_188] : memref<10112x32xf32, #tpu.memory_space<vmem_shared>> -> memref<10112x32xf32, #tpu.memory_space<vmem_shared>>
        tpu.enqueue_indirect_dma source(%arg16 : memref<128x32xf32, #tpu.memory_space<vmem>>) target(%dma_start3A_189 : memref<10112x32xf32, #tpu.memory_space<vmem_shared>>) offsets(%dma_start3A_186 : memref<128xi32, #tpu.memory_space<vmem>>) semaphore(%run_scoped3A : memref<!tpu.dma_semaphore, #tpu.memory_space<semaphore_mem>>) {add = true}
        %dma_wait3A_190 = arith.constant 0 : i32
        %dma_wait3A_191 = tpu.memref_slice %arg8[%add3A_157, %dma_wait3A_190] : memref<80x128xi32, #tpu.memory_space<vmem>> -> memref<1x128xi32, #tpu.memory_space<vmem>>
        %dma_wait3A_192 = tpu.memref_squeeze %dma_wait3A_191 : memref<1x128xi32, #tpu.memory_space<vmem>> -> memref<128xi32, #tpu.memory_space<vmem>>
        %dma_wait3A_193 = arith.constant 0 : i32
        %dma_wait3A_194 = arith.constant 0 : i32
        %dma_wait3A_195 = tpu.memref_slice %arg9[%dma_wait3A_193, %dma_wait3A_194] : memref<10112x32xf32, #tpu.memory_space<vmem_shared>> -> memref<10112x32xf32, #tpu.memory_space<vmem_shared>>
        tpu.wait_indirect_dma semaphore(%run_scoped3A : memref<!tpu.dma_semaphore, #tpu.memory_space<semaphore_mem>>) src(%arg16 : memref<128x32xf32, #tpu.memory_space<vmem>>) dst(%dma_wait3A_195 : memref<10112x32xf32, #tpu.memory_space<vmem_shared>>)
        tpu.yield
      }) : () -> ()
      %lt3A_164 = arith.constant 9 : i32
      %lt3A_165 = arith.cmpi slt, %scan3A_67, %lt3A_164 : i32
      %convert_element_type3A_166 = arith.extui %lt3A_165 : i1 to i32
      %cond3A_167 = arith.constant 0 : i32
      %cond3A_168 = arith.cmpi ne, %convert_element_type3A_166, %cond3A_167 : i32
      scf.if %cond3A_168 {
        %add3A_184 = arith.constant 8 : i32
        %add3A_185 = arith.addi %add3A_157, %add3A_184 : i32
        %dma_start3A_186 = arith.constant 0 : i32
        %dma_start3A_187 = tpu.memref_slice %arg7[%add3A_185, %dma_start3A_186] : memref<80x128xi32, #tpu.memory_space<vmem>> -> memref<1x128xi32, #tpu.memory_space<vmem>>
        %dma_start3A_188 = tpu.memref_squeeze %dma_start3A_187 : memref<1x128xi32, #tpu.memory_space<vmem>> -> memref<128xi32, #tpu.memory_space<vmem>>
        %dma_start3A_189 = arith.constant 0 : i32
        %dma_start3A_190 = arith.constant 0 : i32
        %dma_start3A_191 = tpu.memref_slice %arg2[%dma_start3A_189, %dma_start3A_190] : memref<10000x32xf32, #tpu.memory_space<hbm>> -> memref<10000x32xf32, #tpu.memory_space<hbm>>
        tpu.enqueue_indirect_dma source(%dma_start3A_191 : memref<10000x32xf32, #tpu.memory_space<hbm>>) target(%arg16 : memref<128x32xf32, #tpu.memory_space<vmem>>) offsets(%dma_start3A_188 : memref<128xi32, #tpu.memory_space<vmem>>) semaphore(%arg24 : memref<!tpu.dma_semaphore, #tpu.memory_space<semaphore_mem>>)
      } else {
      }
      %mul3A_169 = arith.constant 8 : i32
      %mul3A_170 = arith.muli %scan3A_67, %mul3A_169 : i32
      %add3A_171 = arith.constant 7 : i32
      %add3A_172 = arith.addi %mul3A_170, %add3A_171 : i32
      %dma_wait3A_173 = arith.constant 0 : i32
      %dma_wait3A_174 = tpu.memref_slice %arg7[%add3A_172, %dma_wait3A_173] : memref<80x128xi32, #tpu.memory_space<vmem>> -> memref<1x128xi32, #tpu.memory_space<vmem>>
      %dma_wait3A_175 = tpu.memref_squeeze %dma_wait3A_174 : memref<1x128xi32, #tpu.memory_space<vmem>> -> memref<128xi32, #tpu.memory_space<vmem>>
      %dma_wait3A_176 = arith.constant 0 : i32
      %dma_wait3A_177 = arith.constant 0 : i32
      %dma_wait3A_178 = tpu.memref_slice %arg2[%dma_wait3A_176, %dma_wait3A_177] : memref<10000x32xf32, #tpu.memory_space<hbm>> -> memref<10000x32xf32, #tpu.memory_space<hbm>>
      tpu.wait_indirect_dma semaphore(%arg25 : memref<!tpu.dma_semaphore, #tpu.memory_space<semaphore_mem>>) src(%dma_wait3A_178 : memref<10000x32xf32, #tpu.memory_space<hbm>>) dst(%arg17 : memref<128x32xf32, #tpu.memory_space<vmem>>)
      "tpu.region"() ({
        %run_scoped3A = tpu.sem_alloc : memref<!tpu.dma_semaphore, #tpu.memory_space<semaphore_mem>>
        %dma_start3A_184 = arith.constant 0 : i32
        %dma_start3A_185 = tpu.memref_slice %arg8[%add3A_172, %dma_start3A_184] : memref<80x128xi32, #tpu.memory_space<vmem>> -> memref<1x128xi32, #tpu.memory_space<vmem>>
        %dma_start3A_186 = tpu.memref_squeeze %dma_start3A_185 : memref<1x128xi32, #tpu.memory_space<vmem>> -> memref<128xi32, #tpu.memory_space<vmem>>
        %dma_start3A_187 = arith.constant 0 : i32
        %dma_start3A_188 = arith.constant 0 : i32
        %dma_start3A_189 = tpu.memref_slice %arg9[%dma_start3A_187, %dma_start3A_188] : memref<10112x32xf32, #tpu.memory_space<vmem_shared>> -> memref<10112x32xf32, #tpu.memory_space<vmem_shared>>
        tpu.enqueue_indirect_dma source(%arg17 : memref<128x32xf32, #tpu.memory_space<vmem>>) target(%dma_start3A_189 : memref<10112x32xf32, #tpu.memory_space<vmem_shared>>) offsets(%dma_start3A_186 : memref<128xi32, #tpu.memory_space<vmem>>) semaphore(%run_scoped3A : memref<!tpu.dma_semaphore, #tpu.memory_space<semaphore_mem>>) {add = true}
        %dma_wait3A_190 = arith.constant 0 : i32
        %dma_wait3A_191 = tpu.memref_slice %arg8[%add3A_172, %dma_wait3A_190] : memref<80x128xi32, #tpu.memory_space<vmem>> -> memref<1x128xi32, #tpu.memory_space<vmem>>
        %dma_wait3A_192 = tpu.memref_squeeze %dma_wait3A_191 : memref<1x128xi32, #tpu.memory_space<vmem>> -> memref<128xi32, #tpu.memory_space<vmem>>
        %dma_wait3A_193 = arith.constant 0 : i32
        %dma_wait3A_194 = arith.constant 0 : i32
        %dma_wait3A_195 = tpu.memref_slice %arg9[%dma_wait3A_193, %dma_wait3A_194] : memref<10112x32xf32, #tpu.memory_space<vmem_shared>> -> memref<10112x32xf32, #tpu.memory_space<vmem_shared>>
        tpu.wait_indirect_dma semaphore(%run_scoped3A : memref<!tpu.dma_semaphore, #tpu.memory_space<semaphore_mem>>) src(%arg17 : memref<128x32xf32, #tpu.memory_space<vmem>>) dst(%dma_wait3A_195 : memref<10112x32xf32, #tpu.memory_space<vmem_shared>>)
        tpu.yield
      }) : () -> ()
      %lt3A_179 = arith.constant 9 : i32
      %lt3A_180 = arith.cmpi slt, %scan3A_67, %lt3A_179 : i32
      %convert_element_type3A_181 = arith.extui %lt3A_180 : i1 to i32
      %cond3A_182 = arith.constant 0 : i32
      %cond3A_183 = arith.cmpi ne, %convert_element_type3A_181, %cond3A_182 : i32
      scf.if %cond3A_183 {
        %add3A_184 = arith.constant 8 : i32
        %add3A_185 = arith.addi %add3A_172, %add3A_184 : i32
        %dma_start3A_186 = arith.constant 0 : i32
        %dma_start3A_187 = tpu.memref_slice %arg7[%add3A_185, %dma_start3A_186] : memref<80x128xi32, #tpu.memory_space<vmem>> -> memref<1x128xi32, #tpu.memory_space<vmem>>
        %dma_start3A_188 = tpu.memref_squeeze %dma_start3A_187 : memref<1x128xi32, #tpu.memory_space<vmem>> -> memref<128xi32, #tpu.memory_space<vmem>>
        %dma_start3A_189 = arith.constant 0 : i32
        %dma_start3A_190 = arith.constant 0 : i32
        %dma_start3A_191 = tpu.memref_slice %arg2[%dma_start3A_189, %dma_start3A_190] : memref<10000x32xf32, #tpu.memory_space<hbm>> -> memref<10000x32xf32, #tpu.memory_space<hbm>>
        tpu.enqueue_indirect_dma source(%dma_start3A_191 : memref<10000x32xf32, #tpu.memory_space<hbm>>) target(%arg17 : memref<128x32xf32, #tpu.memory_space<vmem>>) offsets(%dma_start3A_188 : memref<128xi32, #tpu.memory_space<vmem>>) semaphore(%arg25 : memref<!tpu.dma_semaphore, #tpu.memory_space<semaphore_mem>>)
      } else {
      }
    }
    %scan3A_62 = arith.constant 10 : i32
    %barrier3A_63 = arith.constant 0 : index
    tpu.barrier barrier_id(%barrier3A_63)
    %mul3A_64 = arith.constant 10112 : i32
    %mul3A_65 = arith.muli %arg0, %mul3A_64 : i32
    %add3A_66 = arith.addi %mul3A_65, %mul3A_2 : i32
    "tpu.region"() ({
      %run_scoped3A = tpu.sem_alloc : memref<!tpu.dma_semaphore, #tpu.memory_space<semaphore_mem>>
      %dma_start3A_67 = arith.constant 0 : i32
      %dma_start3A_68 = tpu.memref_slice %arg6[%add3A_66, %dma_start3A_67] : memref<20224x32xf32, #tpu.memory_space<hbm>> -> memref<632x32xf32, #tpu.memory_space<hbm>>
      %dma_start3A_69 = arith.constant 0 : i32
      %dma_start3A_70 = tpu.memref_slice %arg9[%mul3A_2, %dma_start3A_69] : memref<10112x32xf32, #tpu.memory_space<vmem_shared>> -> memref<632x32xf32, #tpu.memory_space<vmem_shared>>
      tpu.enqueue_dma source(%dma_start3A_70 : memref<632x32xf32, #tpu.memory_space<vmem_shared>>) target(%dma_start3A_68 : memref<632x32xf32, #tpu.memory_space<hbm>>) target_semaphore(%run_scoped3A : memref<!tpu.dma_semaphore, #tpu.memory_space<semaphore_mem>>)
      %dma_wait3A = arith.constant 0 : i32
      %dma_wait3A_71 = tpu.memref_slice %arg6[%add3A_66, %dma_wait3A] : memref<20224x32xf32, #tpu.memory_space<hbm>> -> memref<632x32xf32, #tpu.memory_space<hbm>>
      %dma_wait3A_72 = arith.constant 0 : i32
      %dma_wait3A_73 = tpu.memref_slice %arg9[%mul3A_2, %dma_wait3A_72] : memref<10112x32xf32, #tpu.memory_space<vmem_shared>> -> memref<632x32xf32, #tpu.memory_space<vmem_shared>>
      tpu.wait_dma2 semaphore(%run_scoped3A : memref<!tpu.dma_semaphore, #tpu.memory_space<semaphore_mem>>) src(%dma_wait3A_73 : memref<632x32xf32, #tpu.memory_space<vmem_shared>>) dst(%dma_wait3A_71 : memref<632x32xf32, #tpu.memory_space<hbm>>)
      tpu.yield
    }) : () -> ()
    return
  }
}

module attributes {stable_mosaic.version = 14 : i64} {
  func.func @_mm1_body(%arg0: memref<10000x128xf32, #tpu.memory_space<vmem>>, %arg1: memref<128x32xf32, #tpu.memory_space<vmem>>, %arg2: memref<10000x32xf32, #tpu.memory_space<vmem>>) attributes {dimension_semantics = [], scalar_prefetch = 0 : i64, scratch_operands = 0 : i64, tpu.core_type = #tpu.core_type<tc>} {
    %get3A = arith.constant 0 : index
    %get3A_0 = arith.constant 0 : index
    %get3A_1 = vector.load %arg0[%get3A, %get3A_0] : memref<10000x128xf32, #tpu.memory_space<vmem>>, vector<10000x128xf32>
    %get3A_2 = arith.constant 0 : index
    %get3A_3 = arith.constant 0 : index
    %get3A_4 = vector.load %arg1[%get3A_2, %get3A_3] : memref<128x32xf32, #tpu.memory_space<vmem>>, vector<128x32xf32>
    %dot_general3A = arith.constant dense<0.000000e+00> : vector<10000x32xf32>
    %dot_general3A_5 = tpu.matmul %get3A_1, %get3A_4, %dot_general3A {dimension_numbers = #tpu.dot_dimension_numbers<[1], [0], [0], [1], [0, 0, 1, 1], [], []>, transpose_lhs_hint = false} : vector<10000x128xf32>, vector<128x32xf32>, vector<10000x32xf32> -> vector<10000x32xf32>
    %swap3A = arith.constant 0 : index
    %swap3A_6 = arith.constant 0 : index
    %swap3A_7 = vector.load %arg2[%swap3A, %swap3A_6] : memref<10000x32xf32, #tpu.memory_space<vmem>>, vector<10000x32xf32>
    tpu.vector_store %arg2[%swap3A, %swap3A_6], %dot_general3A_5 {strides = array<i32>} : memref<10000x32xf32, #tpu.memory_space<vmem>>, vector<10000x32xf32>,
    return
  }
}

module attributes {stable_mosaic.version = 14 : i64} {
  func.func @_mm2_body(%arg0: memref<10000x32xf32, #tpu.memory_space<vmem>>, %arg1: memref<10000x32xf32, #tpu.memory_space<vmem>>, %arg2: memref<32x16xf32, #tpu.memory_space<vmem>>, %arg3: memref<10000x16xf32, #tpu.memory_space<vmem>>) attributes {dimension_semantics = [], scalar_prefetch = 0 : i64, scratch_operands = 0 : i64, tpu.core_type = #tpu.core_type<tc>} {
    %get3A = arith.constant 0 : index
    %get3A_0 = arith.constant 0 : index
    %get3A_1 = vector.load %arg0[%get3A, %get3A_0] : memref<10000x32xf32, #tpu.memory_space<vmem>>, vector<10000x32xf32>
    %get3A_2 = arith.constant 0 : index
    %get3A_3 = arith.constant 0 : index
    %get3A_4 = vector.load %arg1[%get3A_2, %get3A_3] : memref<10000x32xf32, #tpu.memory_space<vmem>>, vector<10000x32xf32>
    %add3A = arith.addf %get3A_1, %get3A_4 : vector<10000x32xf32>
    %max3A = arith.constant 0.000000e+00 : f32
    %max3A_5 = vector.broadcast %max3A : f32 to vector<10000x32xf32>
    %max3A_6 = arith.maximumf %add3A, %max3A_5 : vector<10000x32xf32>
    %get3A_7 = arith.constant 0 : index
    %get3A_8 = arith.constant 0 : index
    %get3A_9 = vector.load %arg2[%get3A_7, %get3A_8] : memref<32x16xf32, #tpu.memory_space<vmem>>, vector<32x16xf32>
    %dot_general3A = arith.constant dense<0.000000e+00> : vector<10000x16xf32>
    %dot_general3A_10 = tpu.matmul %max3A_6, %get3A_9, %dot_general3A {dimension_numbers = #tpu.dot_dimension_numbers<[1], [0], [0], [1], [0, 0, 1, 1], [], []>, transpose_lhs_hint = false} : vector<10000x32xf32>, vector<32x16xf32>, vector<10000x16xf32> -> vector<10000x16xf32>
    %swap3A = arith.constant 0 : index
    %swap3A_11 = arith.constant 0 : index
    %swap3A_12 = vector.load %arg3[%swap3A, %swap3A_11] : memref<10000x16xf32, #tpu.memory_space<vmem>>, vector<10000x16xf32>
    tpu.vector_store %arg3[%swap3A, %swap3A_11], %dot_general3A_10 {strides = array<i32>} : memref<10000x16xf32, #tpu.memory_space<vmem>>, vector<10000x16xf32>,
    return
  }
}

module attributes {stable_mosaic.version = 14 : i64} {
  func.func @_dec_body(%arg0: i32, %arg1: memref<400x16xf32, #tpu.memory_space<vmem>>, %arg2: memref<400x16xf32, #tpu.memory_space<vmem>>, %arg3: memref<10000x16xf32, #tpu.memory_space<vmem>>, %arg4: memref<10000x16xf32, #tpu.memory_space<vmem>>, %arg5: memref<400x10000xf32, #tpu.memory_space<vmem>>) attributes {dimension_semantics = [#tpu.dimension_semantics<parallel>], iteration_bounds = array<i64: 25>, scalar_prefetch = 0 : i64, scratch_operands = 0 : i64, tpu.core_type = #tpu.core_type<tc>, window_params = [{transform_indices = @transform_0, window_bounds = array<i64: 400, 16>}, {transform_indices = @transform_1, window_bounds = array<i64: 400, 16>}, {pipeline_mode = #tpu.pipeline_mode<synchronous>, transform_indices = @transform_2, window_bounds = array<i64: 10000, 16>}, {pipeline_mode = #tpu.pipeline_mode<synchronous>, transform_indices = @transform_3, window_bounds = array<i64: 10000, 16>}, {transform_indices = @transform_4, window_bounds = array<i64: 400, 10000>}]} {
    %get3A = arith.constant 0 : index
    %get3A_0 = arith.constant 0 : index
    %get3A_1 = vector.load %arg1[%get3A, %get3A_0] : memref<400x16xf32, #tpu.memory_space<vmem>>, vector<400x16xf32>
    %get3A_2 = arith.constant 0 : index
    %get3A_3 = arith.constant 0 : index
    %get3A_4 = vector.load %arg2[%get3A_2, %get3A_3] : memref<400x16xf32, #tpu.memory_space<vmem>>, vector<400x16xf32>
    %add3A = arith.addf %get3A_1, %get3A_4 : vector<400x16xf32>
    %get3A_5 = arith.constant 0 : index
    %get3A_6 = arith.constant 0 : index
    %get3A_7 = vector.load %arg3[%get3A_5, %get3A_6] : memref<10000x16xf32, #tpu.memory_space<vmem>>, vector<10000x16xf32>
    %get3A_8 = arith.constant 0 : index
    %get3A_9 = arith.constant 0 : index
    %get3A_10 = vector.load %arg4[%get3A_8, %get3A_9] : memref<10000x16xf32, #tpu.memory_space<vmem>>, vector<10000x16xf32>
    %add3A_11 = arith.addf %get3A_7, %get3A_10 : vector<10000x16xf32>
    %dot_general3A = arith.constant dense<0.000000e+00> : vector<400x10000xf32>
    %dot_general3A_12 = tpu.matmul %add3A, %add3A_11, %dot_general3A {dimension_numbers = #tpu.dot_dimension_numbers<[1], [1], [0], [0], [0, 0, 1, 0], [], []>, transpose_lhs_hint = false} : vector<400x16xf32>, vector<10000x16xf32>, vector<400x10000xf32> -> vector<400x10000xf32>
    %swap3A = arith.constant 0 : index
    %swap3A_13 = arith.constant 0 : index
    %swap3A_14 = vector.load %arg5[%swap3A, %swap3A_13] : memref<400x10000xf32, #tpu.memory_space<vmem>>, vector<400x10000xf32>
    tpu.vector_store %arg5[%swap3A, %swap3A_13], %dot_general3A_12 {strides = array<i32>} : memref<400x10000xf32, #tpu.memory_space<vmem>>, vector<400x10000xf32>,
    return
  }
  func.func @transform_0(%arg0: i32) -> (i32, i32) {
    %c0_i32 = arith.constant 0 : i32
    %c0_i32_0 = arith.constant 0 : i32
    return %arg0, %c0_i32 : i32, i32
  }
  func.func @transform_1(%arg0: i32) -> (i32, i32) {
    %c0_i32 = arith.constant 0 : i32
    %c0_i32_0 = arith.constant 0 : i32
    return %arg0, %c0_i32 : i32, i32
  }
  func.func @transform_2(%arg0: i32) -> (i32, i32) {
    %c0_i32 = arith.constant 0 : i32
    %c0_i32_0 = arith.constant 0 : i32
    %c0_i32_1 = arith.constant 0 : i32
    return %c0_i32, %c0_i32_0 : i32, i32
  }
  func.func @transform_3(%arg0: i32) -> (i32, i32) {
    %c0_i32 = arith.constant 0 : i32
    %c0_i32_0 = arith.constant 0 : i32
    %c0_i32_1 = arith.constant 0 : i32
    return %c0_i32, %c0_i32_0 : i32, i32
  }
  func.func @transform_4(%arg0: i32) -> (i32, i32) {
    %c0_i32 = arith.constant 0 : i32
    %c0_i32_0 = arith.constant 0 : i32
    return %arg0, %c0_i32 : i32, i32
  }
}

</mosaic_0001>

<sc_bundles>
// kernel: kernel.10.cloned.1.call-start
scs
__scs_entry_jumppad:
0x0: {  	(pc) =	sbr.rel $0x88, $3  }
0x1: {  	(tag) =	ssettag $0x0;
	lr =	simm.s32 $0x1  }
0x2: {  	[smem:$0x3F9D] =	sst lr;
	_ =	strace $0xD0000000  }
0x3: {  	_ = 	snop  }
0x4: {  	_ = 	snop  }
0x5: {  	_ = 	snop  }
0x6: {  	_ = 	snop  }
0x7: {  	_ = 	snop  }
__scs_overlays_trampoline_lowered:
0x8: {  	[smem:$0x3FAC] =	sst s0  }
0x9: {  	[smem:$0x3FAD] =	sst s1  }
0xa: {  	[smem:$0x3FAE] =	sst s2  }
0xb: {  	[smem:$0x3FAF] =	sst s3  }
0xc: {  	[smem:$0x3FB0] =	sst s4  }
0xd: {  	[smem:$0x3FB1] =	sst s5  }
0xe: {  	[smem:$0x3FB2] =	sst s6  }
0xf: {  	[smem:$0x3FB3] =	sst s7  }
0x10: {  	[smem:$0x3FB4] =	sst s8  }
0x11: {  	[smem:$0x3FB5] =	sst s9;
	s0 =	simm.s32 @!p0 $0x0  }
0x12: {  	s1 =	sld [smem:$0x3F9B];
	s0 =	simm.s32 @p0 $0x1  }
0x13: {  	[smem:$0x3FB6] =	sst s0;
	s0 =	simm.s32 @!p1 $0x0  }
0x14: {  	s2 =	sld [smem:$0x3F9A];
	s0 =	simm.s32 @p1 $0x1  }
0x15: {  	[smem:$0x3FB7] =	sst s0;
	s0 =	simm.s32 @!p2 $0x0  }
0x16: {  	s3 =	sld [smem:$0x3FDB];
	s0 =	simm.s32 @p2 $0x1  }
0x17: {  	s4 =	simm.s32 $0x1BF5;
	[smem:$0x3FB9] =	sst s0  }
0x18: {  	s0 =	sld [smem:$0x3F9C];
	_ =	swait.ge [sflag:s4], $0x0  }
0x19: {  	s7 =	sld [smem:$0x3F9D]  }
0x1a: {  	s8 =	sadd.s32 $0xFFFFE003, lr  }
0x1b: {  	s9 =	sadd.s32 $0xFFFFFEF7, lr;
	s5 =	simm.s32 $0xFFFFFFFF;
	p2 =	slt.u32 s8, $0xFFFFF086  }
0x1c: {  	p1 =	slt.u32 s9, $0xF7A;
	s5 =	simm.s32 @!p2 $0x0  }
0x1d: {  	s5 =	simm.s32 @p1 $0x1;
	p0 =	seq.s32 s7, s2  }
0x1e: {  	s7 =	smul.u32 @!p0 $0xF7A, s2;
	p2 =	seq.s32 @!p0 s5, $0x0  }
0x1f: {  	s9 =	smul.u32 $0xF7A, s1;
	s8 =	simm.s32 @!p0 $0x1BF5;
	p2 =	por !p2, p0  }
0x20: {  	[sflag:s8] =	ssyncset.s32 @!p0 $0xFFFFF086;
	s6 =	sadd.s32 @!p0 s3, s7;
	s7 =	simm.s32 @!p0 $0x108  }
0x21: {  	s3 =	sadd.s32 s3, s9;
	s6 =	sadd.s32 @!p0 $0x88, s6;
	s7 =	simm.s32 @p2 $0x1082  }
0x22: {  	[simem:s7], [sflag:s8] =	dma.local @!p0 [hbm:s6], $0xF7A  }
0x23: {  	s9 =	sor.u32 $0xD0000000, s2;
	s6 =	simm.s32 $0x108;
	_ =	swait.ge @!p0 [sflag:s8], $0x0  }
0x24: {  	s3 =	sadd.s32 $0x88, s3;
	s6 =	simm.s32 @!p1 $0x1082;
	[sflag:s4] =	ssyncset.s32 $0xFFFFF086  }
0x25: {  	[simem:s6], [sflag:s4] =	dma.local [hbm:s3], $0xF7A  }
0x26: {  	[smem:$0x3F9D] =	sst s1;
	(tag) =	ssettag s2;
	_ =	strace s9  }
0x27: {  	s1 =	sld [smem:$0x3FAD]  }
0x28: {  	s2 =	sld [smem:$0x3FAE]  }
0x29: {  	s4 =	sld [smem:$0x3FB0]  }
0x2a: {  	p0 =	seq.s32 s5, $0x0;
	s5 =	sld [smem:$0x3FB1]  }
0x2b: {  	s6 =	sld [smem:$0x3FB2]  }
0x2c: {  	s7 =	sld [smem:$0x3FB3]  }
0x2d: {  	s3 =	simm.s32 $0x108;
	s8 =	sld [smem:$0x3FB4]  }
0x2e: {  	s3 =	simm.s32 @!p0 $0x1082;
	s9 =	sld [smem:$0x3FB5]  }
0x2f: {  	lr =	sadd.s32 s0, s3;
	s0 =	sld [smem:$0x3FAC]  }
0x30: {  	s3 =	sld [smem:$0x3FAF]  }
0x31: {  	[smem:$0x3FB8] =	sst s10  }
0x32: {  	s10 =	sld [smem:$0x3FB6];
	_ =	sdelay $0x3  }
0x33: {  	p0 =	seq.s32 s10, $0x1;
	s10 =	sld [smem:$0x3FB8];
	_ =	sdelay $0x3  }
0x34: {  	[smem:$0x3FB8] =	sst s10  }
0x35: {  	s10 =	sld [smem:$0x3FB7];
	_ =	sdelay $0x3  }
0x36: {  	p1 =	seq.s32 s10, $0x1;
	s10 =	sld [smem:$0x3FB8];
	_ =	sdelay $0x3  }
0x37: {  	[smem:$0x3FB8] =	sst s10  }
0x38: {  	s10 =	sld [smem:$0x3FB9]  }
0x39: {  	_ = 	snop;
	(pc) =	sbr.ind lr, $3  }
0x3a: {  	_ = 	snop  }
0x3b: {  	_ = 	snop  }
0x3c: {  	p2 =	seq.s32 s10, $0x1;
	s10 =	sld [smem:$0x3FB8]  }
0x3d: {  	_ =	shalt  }
0x3e: {  	_ =	shalt  }
0x3f: {  	_ =	shalt  }
0x40: {  	_ =	shalt  }
0x41: {  	_ =	shalt  }
0x42: {  	_ =	shalt  }
0x43: {  	_ =	shalt  }
0x44: {  	_ =	shalt  }
0x45: {  	_ =	shalt  }
0x46: {  	_ =	shalt  }
0x47: {  	_ =	shalt  }
0x48: {  	_ =	shalt  }
0x49: {  	_ =	shalt  }
0x4a: {  	_ =	shalt  }
0x4b: {  	_ =	shalt  }
0x4c: {  	_ =	shalt  }
0x4d: {  	_ =	shalt  }
0x4e: {  	_ =	shalt  }
0x4f: {  	_ =	shalt  }
0x50: {  	_ =	shalt  }
0x51: {  	_ =	shalt  }
0x52: {  	_ =	shalt  }
0x53: {  	_ =	shalt  }
0x54: {  	_ =	shalt  }
0x55: {  	_ =	shalt  }
0x56: {  	_ =	shalt  }
0x57: {  	_ =	shalt  }
0x58: {  	_ =	shalt  }
0x59: {  	_ =	shalt  }
0x5a: {  	_ =	shalt  }
0x5b: {  	_ =	shalt  }
0x5c: {  	_ =	shalt  }
0x5d: {  	_ =	shalt  }
0x5e: {  	_ =	shalt  }
0x5f: {  	_ =	shalt  }
0x60: {  	_ =	shalt  }
0x61: {  	_ =	shalt  }
0x62: {  	_ =	shalt  }
0x63: {  	_ =	shalt  }
0x64: {  	_ =	shalt  }
0x65: {  	_ =	shalt  }
0x66: {  	_ =	shalt  }
0x67: {  	_ =	shalt  }
0x68: {  	_ =	shalt  }
0x69: {  	_ =	shalt  }
0x6a: {  	_ =	shalt  }
0x6b: {  	_ =	shalt  }
0x6c: {  	_ =	shalt  }
0x6d: {  	_ =	shalt  }
0x6e: {  	_ =	shalt  }
0x6f: {  	_ =	shalt  }
0x70: {  	_ =	shalt  }
0x71: {  	_ =	shalt  }
0x72: {  	_ =	shalt  }
0x73: {  	_ =	shalt  }
0x74: {  	_ =	shalt  }
0x75: {  	_ =	shalt  }
0x76: {  	_ =	shalt  }
0x77: {  	_ =	shalt  }
0x78: {  	_ =	shalt  }
0x79: {  	_ =	shalt  }
0x7a: {  	_ =	shalt  }
0x7b: {  	_ =	shalt  }
0x7c: {  	_ =	shalt  }
0x7d: {  	_ =	shalt  }
0x7e: {  	_ =	shalt  }
0x7f: {  	_ =	shalt  }
0x80: {  	_ =	shalt  }
0x81: {  	_ =	shalt  }
0x82: {  	_ =	shalt  }
0x83: {  	_ =	shalt  }
0x84: {  	_ =	shalt  }
0x85: {  	_ =	shalt  }
0x86: {  	_ =	shalt  }
0x87: {  	_ =	shalt  }
.Lfunc_end0:
.L_simem_size_0:
called_computation.1_lowered:
.L_overlay_start_0:
0x88: {  	s2 =	sld [smem:$0x3FD9]  }
0x89: {  	s3 =	sld [smem:$0x3FFE];
	_ =	sdelay $0x1  }
0x8a: {  	s1 =	srdreg.scid  }
0x8b: {  	s0 =	sand.u32 $0x1, s1  }
0x8c: {  	s17 =	sshll.u32 s0, $0xA;
	s2 =	sadd.s32 s3, s2  }
0x8d: {  	s2 =	sadd.s32 s2, s17  }
0x8e: {  	[smem:$0x3FC4] =	sst s2  }
0x8f: {  	_ = 	snop  }
0x90: {  	s2 =	sld [smem:$0x3FD0];
	(tm) =	ssettm $0x1  }
0x91: {  	s18 =	sld [smem:$0x3FFB];
	_ =	sdelay $0x3  }
0x92: {  	_ =	strace s18  }
0x93: {  	s3 =	sld [smem:$0x3FFC];
	_ =	sdelay $0x3  }
0x94: {  	_ =	strace s3  }
0x95: {  	s3 =	sld [smem:$0x3FFD];
	_ =	sdelay $0x3  }
0x96: {  	_ =	strace s3  }
0x97: {  	_ =	strace $0x8FFFFFFF  }
0x98: {  	s19 =	sld [smem:$0x3FDB];
	_ =	sdelay $0x1  }
0x99: {  	s4 =	simm.s32 $_scs_section_size  }
0x9a: {  	s5 =	simm.s32 $_size__tile_overlayer_lowered;
	s6 =	simm.s32 $_tile_overlayer_lowered  }
0x9b: {  	s22 =	simm.s32 $0x1BFF;
	s21 =	sshll.u32 s6, $0x1;
	s3 =	sadd.s32 s4, s19  }
0x9c: {  	s7 =	simm.s32 $0x0;
	s20 =	sshll.u32 s5, $0x1;
	s5 =	sadd.s32 s21, s3  }
0x9d: {  	[timem:s7], [sflag:s22] =	dma.local [hbm:s5], s20  }
0x9e: {  	_ =	swait.ge [sflag:s22], s20  }
0x9f: {  	s4 =	ssub.s32 $0x0, s20;
	[sflag:s22] =	ssyncset.done $0x0  }
0xa0: {  	[sflag:s22] =	ssyncadd.s32 s4;
	_ =	sdelay $0x1  }
0xa1: {  	s23 =	simm.s32 $0x1B8B  }
0xa2: {  	_ =	swait.ge [sflag:s23], $0x1  }
0xa3: {  	[sflag:s23] =	ssyncset.done $0x0  }
0xa4: {  	s25 =	simm.s32 $0x1B8E;
	s24 =	sld [smem:$0x3FFE];
	[sflag:s23] =	ssyncadd.s32 $0xFFFFFFFF  }
0xa5: {  	s26 =	simm.s32 $execute0_lowered;
	[smem:$0x3FD2] =	sst s25  }
0xa6: {  	s5 =	sshll.u32 s26, $0x1;
	_ =	strace $0x80000049;
	[dreg:$0x1] =	wrdreg $0xFFFFFFFF  }
0xa7: {  	s28 =	simm.s32 $_size_execute0_lowered;
	s3 =	sadd.s32 s3, s5;
	[dreg:$0x0] =	wrdreg $0x0  }
0xa8: {  	s5 =	sshll.u32 s28, $0x1;
	[dreg:$0x2] =	wrdreg s3  }
0xa9: {  	[dreg:$0x3] =	wrdreg s5  }
0xaa: {  	[dreg:$0x4] =	wrdreg $0xC0  }
0xab: {  	_ =	task [dreg:s7], $0x5FFFF  }
0xac: {  	[dreg:$0x1] =	wrdreg $0xFFFFFFFF  }
0xad: {  	[dreg:$0x0] =	wrdreg $0x60  }
0xae: {  	[dreg:$0x2] =	wrdreg s24  }
0xaf: {  	[dreg:$0x3] =	wrdreg s2  }
0xb0: {  	[dreg:$0x4] =	wrdreg $0x50000  }
0xb1: {  	[dreg:$0x5] =	wrdreg $0x9  }
0xb2: {  	_ =	task.clear_ibuf [dreg:s7], $0x6FFFF;
	_ =	strace $0x90000049  }
0xb3: {  	s29 =	simm.s32 $0x9;
	_ =	strace $0x8000004B  }
0xb4: {  	_ =	swait.ge [sflag:s29], $0x1  }
0xb5: {  	[sflag:s29] =	ssyncadd.s32 $0xFFFFFFFF  }
0xb6: {  	_ =	strace $0x9000004B  }
0xb7: {  	_ =	sfence  }
0xb8: {  	s30 =	sld [smem:$0x0];
	_ =	sdelay $0x2  }
0xb9: {  	s31 =	sshll.u32 s1, $0xD;
	s1 =	sshrl.u32 s1, $0x2  }
0xba: {  	s3 =	sand.u32 $0x4000, s31;
	s1 =	sadd.s32 s1, s30  }
0xbb: {  	s0 =	sor.u32 s3, s0;
	s1 =	sshll.u32 s1, $0x11  }
0xbc: {  	s0 =	sor.u32 s1, s0  }
0xbd: {  	s0 =	sadd.s32 $0x8F2B, s0  }
0xbe: {  	[sflag:s0] =	ssyncadd.remote.s32 $0x1  }
0xbf: {  	_ =	sfence.sel $0xFFFF  }
0xc0: {  	[dreg:$0x0] =	wrdreg $0xFFFFFFFF;
	(pc) =	sbr.abs _section_cstart, $3  }
0xc1: {  	[dreg:$0x1] =	wrdreg $0xFFFFFFFF  }
0xc2: {  	_ =	task.clear_ibuf [dreg:s7], $0x2FFFF;
	_ =	strace $0x9FFFFFFF  }
0xc3: {  	(tm) =	ssettm $0x7FFFFFFF  }
tec
execute0_lowered:
.L_overlay_start_1:
0x0: {  	(tag) =	ssettag $0x1  }
0x1: {  	s0 =	rddreg [dreg:$0x0]  }
0x2: {  	s1 =	rddreg [dreg:$0x1];
	s3 =	srdreg.scid  }
0x3: {  	s13 =	stileid.u32;
	s2 =	rddreg [dreg:$0x2];
	s14 =	simm.s32 $0x80  }
0x4: {  	s15 =	simm.s32 $0x7780;
	s18 =	simm.s32 $0x8780;
	s22 =	simm.s32 $0x9780  }
0x5: {  	s29 =	simm.s32 $0xAF80;
	s30 =	simm.s32 $0x1;
	s31 =	simm.s32 $0x3  }
0x6: {  	s16 =	simm.s32 $0x0;
	s5 =	sand.u32 $0x1, s3;
	s7 =	smul.u32 $0x2780, s13  }
0x7: {  	s4 =	sshll.u32 s13, $0x1;
	s3 =	simm.s32 $0x0;
	s11 =	smul.u32 $0x4F0, s13  }
0x8: {  	s25 =	sshll.u32 s13, $0x6;
	s13 =	simm.s32 $0x8;
	s4 =	sor.u32 s5, s4  }
0x9: {  	[smem:$0x7FF] =	sst s3;
	s23 =	ssub.s32 $0x2, s5;
	s24 =	smul.u32 $0x4F00, s5  }
0xa: {  	s6 =	smul.u32 $0x500, s4;
	_ =	strace $0x8000004A;
	s4 =	sadd.s32 $0x800, s0  }
0xb: {  	s9 =	sshrl.u32 s7, $0x3;
	s10 =	sshrl.u32 s23, $0x1;
	s12 =	sadd.s32 s7, s2  }
0xc: {  	s10 =	ssub.s32 s23, s10;
	s28 =	sadd.s32 s11, s24;
	s11 =	sshrl.u32 s12, $0x3  }
.Ltmp0:
0xd: {  	s12 =	simm.s32 $0x9;
	s8 =	sadd.s32 s6, s0;
	(pc) =	sbr.rel .LBB2_1-.Ltmp0, $4  }
0xe: {  	s0 =	sadd.s32 s9, s0;
	s6 =	sor.u32 $0x1C09, s25;
	s9 =	sadd.s32 s1, s28  }
0xf: {  	s10 =	smax.u32 s10, $0x1;
	s1 =	simm.s32 $0x5;
	s0 =	sadd.s32 $0x1E600, s0  }
0x10: {  	s26 =	sadd.s32 $0x14600, s8;
	s8 =	sadd.s32 $0xA600, s8;
	[dreg:$0x4] =	wrdreg s0  }
0x11: {  	[dreg:$0x5] =	wrdreg s26;
	s26 =	simm.s32 $0xA780;
	s0 =	simm.s32 $0x7  }
.LBB2_4:
0x12: {  	_ =	swait.ge [sflag:s13], $0x800  }
0x13: {  	[sflag:s13] =	ssyncset.done $0x0  }
0x14: {  	[sflag:s13] =	ssyncadd.s32 $0xFFFFF800  }
0x15: {  	[spmem:s2] =	stream.indirect.scatter.add.f32 [tilespmem:s29], [sflag:$0x9], $0x10, s20, s14, $0xb8;
	[tilespmem:$0xB780] =	vst v63  }
0x16: {  	_ =	swait.ge [sflag:s12], $0x800  }
0x17: {  	s16 =	sadd.s32 $0x1, s16;
	[sflag:s12] =	ssyncset.done $0x0  }
0x18: {  	p0 =	sne.s32 s16, s10;
	[sflag:s12] =	ssyncadd.s32 $0xFFFFF800  }
.Ltmp1:
0x19: {  	[bflag:$0x0] =	sbarrier.arrive $0xFFFF;
	(pc) =	sbr.rel @!p0 .LBB2_5-.Ltmp1, $4  }
0x1a: {  	[hbm:s9], [sflag:s6] =	dma.local [spmem:s11], $0x4F0  }
0x1b: {  	_ =	swait.ge [sflag:s12], $0x4F0  }
0x1c: {  	[sflag:s12] =	ssyncset.done $0x0  }
0x1d: {  	[sflag:s12] =	ssyncadd.s32 $0xFFFFFB10  }
.LBB2_1:
0x1e: {  	s5 =	rddreg [dreg:$0x4]  }
0x1f: {  	[spmem:s11], [sflag:s6] =	dma.local [hbm:s5], $0x4F0  }
0x20: {  	_ =	swait.ge [sflag:s12], $0x4F0  }
0x21: {  	[sflag:s12] =	ssyncset.done $0x0  }
0x22: {  	s28 =	rddreg [dreg:$0x5];
	[sflag:s12] =	ssyncadd.s32 $0xFFFFFB10  }
0x23: {  	[tilespmem:s3], [sflag:$0x9] =	stream.linear.gather [hbm4b:s28+s3], $0x2800, $0x38;
	[tilespmem:$0xB780] =	vst v63  }
0x24: {  	_ =	swait.ge [sflag:s12], $0x2800  }
0x25: {  	[sflag:s12] =	ssyncset.done $0x0  }
0x26: {  	s7 =	simm.s32 $0x2800;
	[sflag:s12] =	ssyncadd.s32 $0xFFFFD800  }
0x27: {  	[tilespmem:s7], [sflag:$0x9] =	stream.linear.gather [hbm4b:s8+s3], $0x2800, $0x38;
	[tilespmem:$0xB780] =	vst v63  }
0x28: {  	_ =	swait.ge [sflag:s12], $0x2800  }
0x29: {  	[sflag:s12] =	ssyncset.done $0x0  }
0x2a: {  	[sflag:s12] =	ssyncadd.s32 $0xFFFFD800  }
0x2b: {  	[bflag:$0x0] =	sbarrier.arrive $0xFFFF  }
0x2c: {  	[tilespmem:s15], [sflag:$0x1] =	stream.indirect.gather [hbm4b:s4+s14], $0x10, s3, s14, $0xb8;
	[tilespmem:$0xB780] =	vst v63  }
0x2d: {  	s17 =	simm.s32 $0x7F80  }
0x2e: {  	[tilespmem:s17], [sflag:$0x2] =	stream.indirect.gather [hbm4b:s4+s14], $0x10, s14, s14, $0xb8;
	[tilespmem:$0xB780] =	vst v63  }
0x2f: {  	s19 =	simm.s32 $0x100  }
0x30: {  	[tilespmem:s18], [sflag:$0x3] =	stream.indirect.gather [hbm4b:s4+s14], $0x10, s19, s14, $0xb8;
	[tilespmem:$0xB780] =	vst v63  }
0x31: {  	s20 =	simm.s32 $0x180;
	s7 =	simm.s32 $0x8F80  }
0x32: {  	[tilespmem:s7], [sflag:$0x4] =	stream.indirect.gather [hbm4b:s4+s14], $0x10, s20, s14, $0xb8;
	[tilespmem:$0xB780] =	vst v63  }
0x33: {  	s21 =	simm.s32 $0x200  }
0x34: {  	[tilespmem:s22], [sflag:$0x5] =	stream.indirect.gather [hbm4b:s4+s14], $0x10, s21, s14, $0xb8;
	[tilespmem:$0xB780] =	vst v63  }
0x35: {  	s23 =	simm.s32 $0x280;
	s24 =	simm.s32 $0x9F80  }
0x36: {  	[tilespmem:s24], [sflag:$0x6] =	stream.indirect.gather [hbm4b:s4+s14], $0x10, s23, s14, $0xb8;
	[tilespmem:$0xB780] =	vst v63  }
0x37: {  	s25 =	simm.s32 $0x300  }
0x38: {  	[tilespmem:s26], [sflag:$0x7] =	stream.indirect.gather [hbm4b:s4+s14], $0x10, s25, s14, $0xb8;
	[tilespmem:$0xB780] =	vst v63  }
0x39: {  	s28 =	simm.s32 $0x380;
	s17 =	simm.s32 $0x0  }
0x3a: {  	[tilespmem:s29], [sflag:$0x8] =	stream.indirect.gather [hbm4b:s4+s14], $0x10, s28, s14, $0xb8;
	[tilespmem:$0xB780] =	vst v63  }
.LBB2_2:
0x3b: {  	_ =	swait.ge [sflag:s30], $0x800  }
0x3c: {  	s19 =	sshra.s32 s17, $0x2;
	[sflag:s30] =	ssyncset.done $0x0  }
0x3d: {  	s20 =	sadd.s32 $0x2800, s19;
	[sflag:s30] =	ssyncadd.s32 $0xFFFFF800  }
0x3e: {  	[spmem:s2] =	stream.indirect.scatter.add.f32 [tilespmem:s15], [sflag:$0x9], $0x10, s20, s14, $0xb8;
	[tilespmem:$0xB780] =	vst v63  }
0x3f: {  	_ =	swait.ge [sflag:s12], $0x800  }
0x40: {  	p0 =	seq.s32 s17, $0x9000;
	[sflag:s12] =	ssyncset.done $0x0  }
0x41: {  	s20 =	simm.s32 @p0 $0x2;
	[sflag:s12] =	ssyncadd.s32 $0xFFFFF800  }
0x42: {  	s23 =	sshra.s32 @p0 s17, $0x2;
	_ =	swait.ge @p0 [sflag:s20], $0x800  }
0x43: {  	s24 =	simm.s32 @p0 $0x80;
	s21 =	simm.s32 @p0 $0x7F80;
	[sflag:s20] =	ssyncset.done @p0 $0x0  }
0x44: {  	s25 =	simm.s32 @p0 $0x9;
	[sflag:s20] =	ssyncadd.s32 @p0 $0xFFFFF800;
	s20 =	sadd.s32 @p0 $0x2880, s23  }
0x45: {  	[spmem:s2] =	stream.indirect.scatter.add.f32 @p0 [tilespmem:s21], [sflag:$0x9], $0x10, s20, s24, $0xb8;
	[tilespmem:$0xB780] =	vst v63  }
0x46: {  	_ =	swait.ge @p0 [sflag:s25], $0x800  }
0x47: {  	s5 =	simm.s32 @!p0 $0x7780;
	s20 =	sshra.s32 @!p0 s17, $0x2;
	[sflag:s25] =	ssyncset.done @p0 $0x0  }
0x48: {  	s21 =	simm.s32 @!p0 $0x80;
	s28 =	sadd.s32 @!p0 $0x400, s20;
	[sflag:s25] =	ssyncadd.s32 @p0 $0xFFFFF800  }
0x49: {  	[tilespmem:s5], [sflag:$0x1] =	stream.indirect.gather @!p0 [hbm4b:s4+s21], $0x10, s28, s21, $0xb8;
	[tilespmem:$0xB780] =	vst v63  }
0x4a: {  	s5 =	simm.s32 @!p0 $0x2  }
0x4b: {  	_ =	swait.ge @!p0 [sflag:s5], $0x800  }
0x4c: {  	s7 =	simm.s32 @!p0 $0x7F80;
	[sflag:s5] =	ssyncset.done @!p0 $0x0  }
0x4d: {  	s28 =	simm.s32 @!p0 $0x9;
	[sflag:s5] =	ssyncadd.s32 @!p0 $0xFFFFF800;
	s5 =	sadd.s32 @!p0 $0x2880, s20  }
0x4e: {  	[spmem:s2] =	stream.indirect.scatter.add.f32 @!p0 [tilespmem:s7], [sflag:$0x9], $0x10, s5, s21, $0xb8;
	[tilespmem:$0xB780] =	vst v63  }
0x4f: {  	_ =	swait.ge @!p0 [sflag:s28], $0x800  }
0x50: {  	[sflag:s28] =	ssyncset.done @!p0 $0x0  }
0x51: {  	s5 =	sadd.s32 @!p0 $0x480, s20;
	[sflag:s28] =	ssyncadd.s32 @!p0 $0xFFFFF800  }
0x52: {  	[tilespmem:s7], [sflag:$0x2] =	stream.indirect.gather @!p0 [hbm4b:s4+s21], $0x10, s5, s21, $0xb8;
	[tilespmem:$0xB780] =	vst v63  }
0x53: {  	_ =	swait.ge [sflag:s31], $0x800  }
0x54: {  	[sflag:s31] =	ssyncset.done $0x0  }
0x55: {  	s7 =	sadd.s32 $0x2900, s19;
	[sflag:s31] =	ssyncadd.s32 $0xFFFFF800  }
0x56: {  	[spmem:s2] =	stream.indirect.scatter.add.f32 [tilespmem:s18], [sflag:$0x9], $0x10, s7, s14, $0xb8;
	[tilespmem:$0xB780] =	vst v63  }
0x57: {  	_ =	swait.ge [sflag:s12], $0x800  }
0x58: {  	[sflag:s12] =	ssyncset.done $0x0  }
0x59: {  	s5 =	simm.s32 @p0 $0x4;
	[sflag:s12] =	ssyncadd.s32 $0xFFFFF800  }
0x5a: {  	_ =	swait.ge @p0 [sflag:s5], $0x800  }
0x5b: {  	[sflag:s5] =	ssyncset.done @p0 $0x0  }
0x5c: {  	s7 =	simm.s32 @p0 $0x8F80;
	[sflag:s5] =	ssyncadd.s32 @p0 $0xFFFFF800;
	s5 =	sadd.s32 @p0 $0x2980, s23  }
0x5d: {  	[spmem:s2] =	stream.indirect.scatter.add.f32 @p0 [tilespmem:s7], [sflag:$0x9], $0x10, s5, s24, $0xb8;
	[tilespmem:$0xB780] =	vst v63  }
0x5e: {  	_ =	swait.ge @p0 [sflag:s25], $0x800  }
0x5f: {  	[sflag:s25] =	ssyncset.done @p0 $0x0  }
0x60: {  	s5 =	sadd.s32 @!p0 $0x500, s20;
	s7 =	simm.s32 @!p0 $0x8780;
	[sflag:s25] =	ssyncadd.s32 @p0 $0xFFFFF800  }
0x61: {  	[tilespmem:s7], [sflag:$0x3] =	stream.indirect.gather @!p0 [hbm4b:s4+s21], $0x10, s5, s21, $0xb8;
	[tilespmem:$0xB780] =	vst v63  }
0x62: {  	s5 =	simm.s32 @!p0 $0x4  }
0x63: {  	_ =	swait.ge @!p0 [sflag:s5], $0x800  }
0x64: {  	[sflag:s5] =	ssyncset.done @!p0 $0x0  }
0x65: {  	s7 =	simm.s32 @!p0 $0x8F80;
	[sflag:s5] =	ssyncadd.s32 @!p0 $0xFFFFF800;
	s5 =	sadd.s32 @!p0 $0x2980, s20  }
0x66: {  	[spmem:s2] =	stream.indirect.scatter.add.f32 @!p0 [tilespmem:s7], [sflag:$0x9], $0x10, s5, s21, $0xb8;
	[tilespmem:$0xB780] =	vst v63  }
0x67: {  	_ =	swait.ge @!p0 [sflag:s28], $0x800  }
0x68: {  	[sflag:s28] =	ssyncset.done @!p0 $0x0  }
0x69: {  	s5 =	sadd.s32 @!p0 $0x580, s20;
	[sflag:s28] =	ssyncadd.s32 @!p0 $0xFFFFF800  }
0x6a: {  	[tilespmem:s7], [sflag:$0x4] =	stream.indirect.gather @!p0 [hbm4b:s4+s21], $0x10, s5, s21, $0xb8;
	[tilespmem:$0xB780] =	vst v63  }
0x6b: {  	_ =	swait.ge [sflag:s1], $0x800  }
0x6c: {  	[sflag:s1] =	ssyncset.done $0x0  }
0x6d: {  	s7 =	sadd.s32 $0x2A00, s19;
	[sflag:s1] =	ssyncadd.s32 $0xFFFFF800  }
0x6e: {  	[spmem:s2] =	stream.indirect.scatter.add.f32 [tilespmem:s22], [sflag:$0x9], $0x10, s7, s14, $0xb8;
	[tilespmem:$0xB780] =	vst v63  }
0x6f: {  	_ =	swait.ge [sflag:s12], $0x800  }
0x70: {  	[sflag:s12] =	ssyncset.done $0x0  }
0x71: {  	s5 =	simm.s32 @p0 $0x6;
	[sflag:s12] =	ssyncadd.s32 $0xFFFFF800  }
0x72: {  	_ =	swait.ge @p0 [sflag:s5], $0x800  }
0x73: {  	[sflag:s5] =	ssyncset.done @p0 $0x0  }
0x74: {  	s7 =	simm.s32 @p0 $0x9F80;
	[sflag:s5] =	ssyncadd.s32 @p0 $0xFFFFF800;
	s5 =	sadd.s32 @p0 $0x2A80, s23  }
0x75: {  	[spmem:s2] =	stream.indirect.scatter.add.f32 @p0 [tilespmem:s7], [sflag:$0x9], $0x10, s5, s24, $0xb8;
	[tilespmem:$0xB780] =	vst v63  }
0x76: {  	_ =	swait.ge @p0 [sflag:s25], $0x800  }
0x77: {  	[sflag:s25] =	ssyncset.done @p0 $0x0  }
0x78: {  	s5 =	sadd.s32 @!p0 $0x600, s20;
	s7 =	simm.s32 @!p0 $0x9780;
	[sflag:s25] =	ssyncadd.s32 @p0 $0xFFFFF800  }
0x79: {  	[tilespmem:s7], [sflag:$0x5] =	stream.indirect.gather @!p0 [hbm4b:s4+s21], $0x10, s5, s21, $0xb8;
	[tilespmem:$0xB780] =	vst v63  }
0x7a: {  	s5 =	simm.s32 @!p0 $0x6  }
0x7b: {  	_ =	swait.ge @!p0 [sflag:s5], $0x800  }
0x7c: {  	[sflag:s5] =	ssyncset.done @!p0 $0x0  }
0x7d: {  	s7 =	simm.s32 @!p0 $0x9F80;
	[sflag:s5] =	ssyncadd.s32 @!p0 $0xFFFFF800;
	s5 =	sadd.s32 @!p0 $0x2A80, s20  }
0x7e: {  	[spmem:s2] =	stream.indirect.scatter.add.f32 @!p0 [tilespmem:s7], [sflag:$0x9], $0x10, s5, s21, $0xb8;
	[tilespmem:$0xB780] =	vst v63  }
0x7f: {  	_ =	swait.ge @!p0 [sflag:s28], $0x800  }
0x80: {  	[sflag:s28] =	ssyncset.done @!p0 $0x0  }
0x81: {  	s5 =	sadd.s32 @!p0 $0x680, s20;
	[sflag:s28] =	ssyncadd.s32 @!p0 $0xFFFFF800  }
0x82: {  	[tilespmem:s7], [sflag:$0x6] =	stream.indirect.gather @!p0 [hbm4b:s4+s21], $0x10, s5, s21, $0xb8;
	[tilespmem:$0xB780] =	vst v63  }
0x83: {  	_ =	swait.ge [sflag:s0], $0x800  }
0x84: {  	[sflag:s0] =	ssyncset.done $0x0  }
.Ltmp2:
0x85: {  	s28 =	sadd.s32 $0x2B00, s19;
	[sflag:s0] =	ssyncadd.s32 $0xFFFFF800;
	(pc) =	sbr.rel @p0 .LBB2_4-.Ltmp2, $4  }
0x86: {  	[spmem:s2] =	stream.indirect.scatter.add.f32 [tilespmem:s26], [sflag:$0x9], $0x10, s28, s14, $0xb8;
	[tilespmem:$0xB780] =	vst v63  }
0x87: {  	_ =	swait.ge [sflag:s12], $0x800  }
0x88: {  	[sflag:s12] =	ssyncset.done $0x0  }
0x89: {  	s20 =	sadd.s32 $0x2B80, s19;
	[sflag:s12] =	ssyncadd.s32 $0xFFFFF800  }
0x8a: {  	s5 =	sadd.s32 $0x700, s19  }
0x8b: {  	[tilespmem:s26], [sflag:$0x7] =	stream.indirect.gather [hbm4b:s4+s14], $0x10, s5, s14, $0xb8;
	[tilespmem:$0xB780] =	vst v63  }
0x8c: {  	_ =	swait.ge [sflag:s13], $0x800  }
0x8d: {  	[sflag:s13] =	ssyncset.done $0x0  }
0x8e: {  	[sflag:s13] =	ssyncadd.s32 $0xFFFFF800  }
0x8f: {  	[spmem:s2] =	stream.indirect.scatter.add.f32 [tilespmem:s29], [sflag:$0x9], $0x10, s20, s14, $0xb8;
	[tilespmem:$0xB780] =	vst v63  }
.Ltmp3:
0x90: {  	_ = 	snop;
	(pc) =	sbr.rel .LBB2_2-.Ltmp3, $4  }
0x91: {  	_ =	swait.ge [sflag:s12], $0x800  }
0x92: {  	[sflag:s12] =	ssyncset.done $0x0  }
0x93: {  	s28 =	sadd.s32 $0x780, s19;
	s17 =	sadd.s32 $0x1000, s17;
	[sflag:s12] =	ssyncadd.s32 $0xFFFFF800  }
0x94: {  	[tilespmem:s29], [sflag:$0x8] =	stream.indirect.gather [hbm4b:s4+s14], $0x10, s28, s14, $0xb8;
	[tilespmem:$0xB780] =	vst v63  }
.LBB2_5:
0x95: {  	_ =	sfence.sel $0x180000  }
0x96: {  	[bflag:$0x0] =	sbarrier.arrive $0xFFFF  }
0x97: {  	_ =	strace $0x9000004A  }
0x98: {  	s0 =	stileid.u32;
	[bflag:$0x2] =	sbarrier.arrive $0xFFFF  }
0x99: {  	p0 =	sne.s32 s0, $0x0;
	s0 =	rddreg [dreg:$0x3]  }
0x9a: {  	s0 =	sadd.s32 @!p0 $0x100000, s0  }
0x9b: {  	[sflag:s0] =	ssyncadd.tile.s32 @!p0 $0x1;
	_ =	shalt  }
.Lfunc_end2:
_tile_overlayer_lowered:
.L_overlay_start_2:
0x9c: {  	(tag) =	ssettag $0x2  }
0x9d: {  	s0 =	rddreg [dreg:$0x0];
	s2 =	stileid.u32  }
0x9e: {  	s1 =	rddreg [dreg:$0x1];
	p0 =	sne.s32 s2, $0x0  }
0x9f: {  	s3 =	rddreg [dreg:$0x2];
	[bflag:$0x3] =	sbarrier.arrive $0xFFFF;
	s2 =	simm.s32 @!p0 $0x1C09  }
0xa0: {  	[timem:s3], [sflag:s2] =	dma.local @!p0 [hbm:s0], s1  }
0xa1: {  	s0 =	simm.s32 @!p0 $0x9  }
0xa2: {  	_ =	swait.ge @!p0 [sflag:s0], s1  }
0xa3: {  	s1 =	ssub.s32 @!p0 $0x0, s1;
	[sflag:s0] =	ssyncset.done @!p0 $0x0  }
0xa4: {  	[sflag:s0] =	ssyncadd.s32 @!p0 s1  }
0xa5: {  	[bflag:$0x3] =	sbarrier.arrive $0xFFFF  }
0xa6: {  	_ =	shalt  }

// kernel: kernel.7.cloned.1.call-start
scs
__scs_entry_jumppad:
0x0: {  	(pc) =	sbr.rel $0x88, $3  }
0x1: {  	(tag) =	ssettag $0x0;
	lr =	simm.s32 $0x1  }
0x2: {  	[smem:$0x3F9D] =	sst lr;
	_ =	strace $0xD0000000  }
0x3: {  	_ = 	snop  }
0x4: {  	_ = 	snop  }
0x5: {  	_ = 	snop  }
0x6: {  	_ = 	snop  }
0x7: {  	_ = 	snop  }
__scs_overlays_trampoline_lowered:
0x8: {  	[smem:$0x3FAC] =	sst s0  }
0x9: {  	[smem:$0x3FAD] =	sst s1  }
0xa: {  	[smem:$0x3FAE] =	sst s2  }
0xb: {  	[smem:$0x3FAF] =	sst s3  }
0xc: {  	[smem:$0x3FB0] =	sst s4  }
0xd: {  	[smem:$0x3FB1] =	sst s5  }
0xe: {  	[smem:$0x3FB2] =	sst s6  }
0xf: {  	[smem:$0x3FB3] =	sst s7  }
0x10: {  	[smem:$0x3FB4] =	sst s8  }
0x11: {  	[smem:$0x3FB5] =	sst s9;
	s0 =	simm.s32 @!p0 $0x0  }
0x12: {  	s1 =	sld [smem:$0x3F9B];
	s0 =	simm.s32 @p0 $0x1  }
0x13: {  	[smem:$0x3FB6] =	sst s0;
	s0 =	simm.s32 @!p1 $0x0  }
0x14: {  	s2 =	sld [smem:$0x3F9A];
	s0 =	simm.s32 @p1 $0x1  }
0x15: {  	[smem:$0x3FB7] =	sst s0;
	s0 =	simm.s32 @!p2 $0x0  }
0x16: {  	s3 =	sld [smem:$0x3FDB];
	s0 =	simm.s32 @p2 $0x1  }
0x17: {  	s4 =	simm.s32 $0x1BF5;
	[smem:$0x3FB9] =	sst s0  }
0x18: {  	s0 =	sld [smem:$0x3F9C];
	_ =	swait.ge [sflag:s4], $0x0  }
0x19: {  	s7 =	sld [smem:$0x3F9D]  }
0x1a: {  	s8 =	sadd.s32 $0xFFFFE003, lr  }
0x1b: {  	s9 =	sadd.s32 $0xFFFFFEF7, lr;
	s5 =	simm.s32 $0xFFFFFFFF;
	p2 =	slt.u32 s8, $0xFFFFF086  }
0x1c: {  	p1 =	slt.u32 s9, $0xF7A;
	s5 =	simm.s32 @!p2 $0x0  }
0x1d: {  	s5 =	simm.s32 @p1 $0x1;
	p0 =	seq.s32 s7, s2  }
0x1e: {  	s7 =	smul.u32 @!p0 $0xF7A, s2;
	p2 =	seq.s32 @!p0 s5, $0x0  }
0x1f: {  	s9 =	smul.u32 $0xF7A, s1;
	s8 =	simm.s32 @!p0 $0x1BF5;
	p2 =	por !p2, p0  }
0x20: {  	[sflag:s8] =	ssyncset.s32 @!p0 $0xFFFFF086;
	s6 =	sadd.s32 @!p0 s3, s7;
	s7 =	simm.s32 @!p0 $0x108  }
0x21: {  	s3 =	sadd.s32 s3, s9;
	s6 =	sadd.s32 @!p0 $0x88, s6;
	s7 =	simm.s32 @p2 $0x1082  }
0x22: {  	[simem:s7], [sflag:s8] =	dma.local @!p0 [hbm:s6], $0xF7A  }
0x23: {  	s9 =	sor.u32 $0xD0000000, s2;
	s6 =	simm.s32 $0x108;
	_ =	swait.ge @!p0 [sflag:s8], $0x0  }
0x24: {  	s3 =	sadd.s32 $0x88, s3;
	s6 =	simm.s32 @!p1 $0x1082;
	[sflag:s4] =	ssyncset.s32 $0xFFFFF086  }
0x25: {  	[simem:s6], [sflag:s4] =	dma.local [hbm:s3], $0xF7A  }
0x26: {  	[smem:$0x3F9D] =	sst s1;
	(tag) =	ssettag s2;
	_ =	strace s9  }
0x27: {  	s1 =	sld [smem:$0x3FAD]  }
0x28: {  	s2 =	sld [smem:$0x3FAE]  }
0x29: {  	s4 =	sld [smem:$0x3FB0]  }
0x2a: {  	p0 =	seq.s32 s5, $0x0;
	s5 =	sld [smem:$0x3FB1]  }
0x2b: {  	s6 =	sld [smem:$0x3FB2]  }
0x2c: {  	s7 =	sld [smem:$0x3FB3]  }
0x2d: {  	s3 =	simm.s32 $0x108;
	s8 =	sld [smem:$0x3FB4]  }
0x2e: {  	s3 =	simm.s32 @!p0 $0x1082;
	s9 =	sld [smem:$0x3FB5]  }
0x2f: {  	lr =	sadd.s32 s0, s3;
	s0 =	sld [smem:$0x3FAC]  }
0x30: {  	s3 =	sld [smem:$0x3FAF]  }
0x31: {  	[smem:$0x3FB8] =	sst s10  }
0x32: {  	s10 =	sld [smem:$0x3FB6];
	_ =	sdelay $0x3  }
0x33: {  	p0 =	seq.s32 s10, $0x1;
	s10 =	sld [smem:$0x3FB8];
	_ =	sdelay $0x3  }
0x34: {  	[smem:$0x3FB8] =	sst s10  }
0x35: {  	s10 =	sld [smem:$0x3FB7];
	_ =	sdelay $0x3  }
0x36: {  	p1 =	seq.s32 s10, $0x1;
	s10 =	sld [smem:$0x3FB8];
	_ =	sdelay $0x3  }
0x37: {  	[smem:$0x3FB8] =	sst s10  }
0x38: {  	s10 =	sld [smem:$0x3FB9]  }
0x39: {  	_ = 	snop;
	(pc) =	sbr.ind lr, $3  }
0x3a: {  	_ = 	snop  }
0x3b: {  	_ = 	snop  }
0x3c: {  	p2 =	seq.s32 s10, $0x1;
	s10 =	sld [smem:$0x3FB8]  }
0x3d: {  	_ =	shalt  }
0x3e: {  	_ =	shalt  }
0x3f: {  	_ =	shalt  }
0x40: {  	_ =	shalt  }
0x41: {  	_ =	shalt  }
0x42: {  	_ =	shalt  }
0x43: {  	_ =	shalt  }
0x44: {  	_ =	shalt  }
0x45: {  	_ =	shalt  }
0x46: {  	_ =	shalt  }
0x47: {  	_ =	shalt  }
0x48: {  	_ =	shalt  }
0x49: {  	_ =	shalt  }
0x4a: {  	_ =	shalt  }
0x4b: {  	_ =	shalt  }
0x4c: {  	_ =	shalt  }
0x4d: {  	_ =	shalt  }
0x4e: {  	_ =	shalt  }
0x4f: {  	_ =	shalt  }
0x50: {  	_ =	shalt  }
0x51: {  	_ =	shalt  }
0x52: {  	_ =	shalt  }
0x53: {  	_ =	shalt  }
0x54: {  	_ =	shalt  }
0x55: {  	_ =	shalt  }
0x56: {  	_ =	shalt  }
0x57: {  	_ =	shalt  }
0x58: {  	_ =	shalt  }
0x59: {  	_ =	shalt  }
0x5a: {  	_ =	shalt  }
0x5b: {  	_ =	shalt  }
0x5c: {  	_ =	shalt  }
0x5d: {  	_ =	shalt  }
0x5e: {  	_ =	shalt  }
0x5f: {  	_ =	shalt  }
0x60: {  	_ =	shalt  }
0x61: {  	_ =	shalt  }
0x62: {  	_ =	shalt  }
0x63: {  	_ =	shalt  }
0x64: {  	_ =	shalt  }
0x65: {  	_ =	shalt  }
0x66: {  	_ =	shalt  }
0x67: {  	_ =	shalt  }
0x68: {  	_ =	shalt  }
0x69: {  	_ =	shalt  }
0x6a: {  	_ =	shalt  }
0x6b: {  	_ =	shalt  }
0x6c: {  	_ =	shalt  }
0x6d: {  	_ =	shalt  }
0x6e: {  	_ =	shalt  }
0x6f: {  	_ =	shalt  }
0x70: {  	_ =	shalt  }
0x71: {  	_ =	shalt  }
0x72: {  	_ =	shalt  }
0x73: {  	_ =	shalt  }
0x74: {  	_ =	shalt  }
0x75: {  	_ =	shalt  }
0x76: {  	_ =	shalt  }
0x77: {  	_ =	shalt  }
0x78: {  	_ =	shalt  }
0x79: {  	_ =	shalt  }
0x7a: {  	_ =	shalt  }
0x7b: {  	_ =	shalt  }
0x7c: {  	_ =	shalt  }
0x7d: {  	_ =	shalt  }
0x7e: {  	_ =	shalt  }
0x7f: {  	_ =	shalt  }
0x80: {  	_ =	shalt  }
0x81: {  	_ =	shalt  }
0x82: {  	_ =	shalt  }
0x83: {  	_ =	shalt  }
0x84: {  	_ =	shalt  }
0x85: {  	_ =	shalt  }
0x86: {  	_ =	shalt  }
0x87: {  	_ =	shalt  }
.Lfunc_end0:
.L_simem_size_0:
called_computation_lowered:
.L_overlay_start_0:
0x88: {  	s2 =	sld [smem:$0x3FD9]  }
0x89: {  	s3 =	sld [smem:$0x3FFE];
	_ =	sdelay $0x1  }
0x8a: {  	s1 =	srdreg.scid  }
0x8b: {  	s0 =	sand.u32 $0x1, s1  }
0x8c: {  	s17 =	sshll.u32 s0, $0xA;
	s2 =	sadd.s32 s3, s2  }
0x8d: {  	s2 =	sadd.s32 s2, s17  }
0x8e: {  	[smem:$0x3FC4] =	sst s2  }
0x8f: {  	_ = 	snop  }
0x90: {  	s2 =	sld [smem:$0x3FD0];
	(tm) =	ssettm $0x1  }
0x91: {  	s18 =	sld [smem:$0x3FFB];
	_ =	sdelay $0x3  }
0x92: {  	_ =	strace s18  }
0x93: {  	s3 =	sld [smem:$0x3FFC];
	_ =	sdelay $0x3  }
0x94: {  	_ =	strace s3  }
0x95: {  	s3 =	sld [smem:$0x3FFD];
	_ =	sdelay $0x3  }
0x96: {  	_ =	strace s3  }
0x97: {  	_ =	strace $0x8FFFFFFF  }
0x98: {  	s19 =	sld [smem:$0x3FDB];
	_ =	sdelay $0x1  }
0x99: {  	s4 =	simm.s32 $_scs_section_size  }
0x9a: {  	s5 =	simm.s32 $_size__tile_overlayer_lowered;
	s6 =	simm.s32 $_tile_overlayer_lowered  }
0x9b: {  	s22 =	simm.s32 $0x1BFF;
	s21 =	sshll.u32 s6, $0x1;
	s3 =	sadd.s32 s4, s19  }
0x9c: {  	s7 =	simm.s32 $0x0;
	s20 =	sshll.u32 s5, $0x1;
	s5 =	sadd.s32 s21, s3  }
0x9d: {  	[timem:s7], [sflag:s22] =	dma.local [hbm:s5], s20  }
0x9e: {  	_ =	swait.ge [sflag:s22], s20  }
0x9f: {  	s4 =	ssub.s32 $0x0, s20;
	[sflag:s22] =	ssyncset.done $0x0  }
0xa0: {  	[sflag:s22] =	ssyncadd.s32 s4;
	_ =	sdelay $0x1  }
0xa1: {  	s23 =	simm.s32 $0x1B8B  }
0xa2: {  	_ =	swait.ge [sflag:s23], $0x1  }
0xa3: {  	[sflag:s23] =	ssyncset.done $0x0  }
0xa4: {  	s25 =	simm.s32 $0x1B8E;
	s24 =	sld [smem:$0x3FFE];
	[sflag:s23] =	ssyncadd.s32 $0xFFFFFFFF  }
0xa5: {  	s26 =	simm.s32 $execute0_lowered;
	[smem:$0x3FD2] =	sst s25  }
0xa6: {  	s5 =	sshll.u32 s26, $0x1;
	_ =	strace $0x80000046;
	[dreg:$0x1] =	wrdreg $0xFFFFFFFF  }
0xa7: {  	s28 =	simm.s32 $_size_execute0_lowered;
	s3 =	sadd.s32 s3, s5;
	[dreg:$0x0] =	wrdreg $0x0  }
0xa8: {  	s5 =	sshll.u32 s28, $0x1;
	[dreg:$0x2] =	wrdreg s3  }
0xa9: {  	[dreg:$0x3] =	wrdreg s5  }
0xaa: {  	[dreg:$0x4] =	wrdreg $0xC0  }
0xab: {  	_ =	task [dreg:s7], $0x5FFFF  }
0xac: {  	[dreg:$0x1] =	wrdreg $0xFFFFFFFF  }
0xad: {  	[dreg:$0x0] =	wrdreg $0x60  }
0xae: {  	[dreg:$0x2] =	wrdreg s24  }
0xaf: {  	[dreg:$0x3] =	wrdreg s2  }
0xb0: {  	[dreg:$0x4] =	wrdreg $0x50000  }
0xb1: {  	[dreg:$0x5] =	wrdreg $0x9  }
0xb2: {  	_ =	task.clear_ibuf [dreg:s7], $0x6FFFF;
	_ =	strace $0x90000046  }
0xb3: {  	s29 =	simm.s32 $0x9;
	_ =	strace $0x80000048  }
0xb4: {  	_ =	swait.ge [sflag:s29], $0x1  }
0xb5: {  	[sflag:s29] =	ssyncadd.s32 $0xFFFFFFFF  }
0xb6: {  	_ =	strace $0x90000048  }
0xb7: {  	_ =	sfence  }
0xb8: {  	s30 =	sld [smem:$0x0];
	_ =	sdelay $0x2  }
0xb9: {  	s31 =	sshll.u32 s1, $0xD;
	s1 =	sshrl.u32 s1, $0x2  }
0xba: {  	s3 =	sand.u32 $0x4000, s31;
	s1 =	sadd.s32 s1, s30  }
0xbb: {  	s0 =	sor.u32 s3, s0;
	s1 =	sshll.u32 s1, $0x11  }
0xbc: {  	s0 =	sor.u32 s1, s0  }
0xbd: {  	s0 =	sadd.s32 $0x8F2B, s0  }
0xbe: {  	[sflag:s0] =	ssyncadd.remote.s32 $0x1  }
0xbf: {  	_ =	sfence.sel $0xFFFF  }
0xc0: {  	[dreg:$0x0] =	wrdreg $0xFFFFFFFF;
	(pc) =	sbr.abs _section_cstart, $3  }
0xc1: {  	[dreg:$0x1] =	wrdreg $0xFFFFFFFF  }
0xc2: {  	_ =	task.clear_ibuf [dreg:s7], $0x2FFFF;
	_ =	strace $0x9FFFFFFF  }
0xc3: {  	(tm) =	ssettm $0x7FFFFFFF  }
tec
execute0_lowered:
.L_overlay_start_1:
0x0: {  	(tag) =	ssettag $0x1  }
0x1: {  	s0 =	rddreg [dreg:$0x0]  }
0x2: {  	s1 =	rddreg [dreg:$0x1];
	s3 =	srdreg.scid  }
0x3: {  	s13 =	stileid.u32;
	s2 =	rddreg [dreg:$0x2];
	s14 =	simm.s32 $0x80  }
0x4: {  	s15 =	simm.s32 $0x9F00;
	s18 =	simm.s32 $0xBF00;
	s22 =	simm.s32 $0xDF00  }
0x5: {  	s29 =	simm.s32 $0x10F00;
	s30 =	simm.s32 $0x1;
	s31 =	simm.s32 $0x3  }
0x6: {  	s16 =	simm.s32 $0x0;
	s5 =	sand.u32 $0x1, s3;
	s7 =	smul.u32 $0x4F00, s13  }
0x7: {  	s4 =	sshll.u32 s13, $0x1;
	s3 =	simm.s32 $0x0;
	s11 =	smul.u32 $0x9E0, s13  }
0x8: {  	s25 =	sshll.u32 s13, $0x6;
	s13 =	simm.s32 $0x8;
	s4 =	sor.u32 s5, s4  }
0x9: {  	[smem:$0x7FF] =	sst s3;
	s23 =	ssub.s32 $0x2, s5;
	s24 =	smul.u32 $0x9E00, s5  }
0xa: {  	s6 =	smul.u32 $0x500, s4;
	_ =	strace $0x80000047;
	s4 =	sadd.s32 $0x800, s0  }
0xb: {  	s9 =	sshrl.u32 s7, $0x3;
	s10 =	sshrl.u32 s23, $0x1;
	s12 =	sadd.s32 s7, s2  }
0xc: {  	s10 =	ssub.s32 s23, s10;
	s28 =	sadd.s32 s11, s24;
	s11 =	sshrl.u32 s12, $0x3  }
.Ltmp0:
0xd: {  	s12 =	simm.s32 $0x9;
	s8 =	sadd.s32 s6, s0;
	(pc) =	sbr.rel .LBB2_1-.Ltmp0, $4  }
0xe: {  	s0 =	sadd.s32 s9, s0;
	s6 =	sor.u32 $0x1C09, s25;
	s9 =	sadd.s32 s1, s28  }
0xf: {  	s10 =	smax.u32 s10, $0x1;
	s1 =	simm.s32 $0x5;
	s0 =	sadd.s32 $0x1E600, s0  }
0x10: {  	s26 =	sadd.s32 $0x14600, s8;
	s8 =	sadd.s32 $0xA600, s8;
	[dreg:$0x4] =	wrdreg s0  }
0x11: {  	[dreg:$0x5] =	wrdreg s26;
	s26 =	simm.s32 $0xFF00;
	s0 =	simm.s32 $0x7  }
.LBB2_4:
0x12: {  	_ =	swait.ge [sflag:s13], $0x1000  }
0x13: {  	[sflag:s13] =	ssyncset.done $0x0  }
0x14: {  	[sflag:s13] =	ssyncadd.s32 $0xFFFFF000  }
0x15: {  	[spmem:s2] =	stream.indirect.scatter.add.f32 [tilespmem:s29], [sflag:$0x9], $0x20, s20, s14, $0xb8;
	[tilespmem:$0x11F00] =	vst v63  }
0x16: {  	_ =	swait.ge [sflag:s12], $0x1000  }
0x17: {  	s16 =	sadd.s32 $0x1, s16;
	[sflag:s12] =	ssyncset.done $0x0  }
0x18: {  	p0 =	sne.s32 s16, s10;
	[sflag:s12] =	ssyncadd.s32 $0xFFFFF000  }
.Ltmp1:
0x19: {  	[bflag:$0x0] =	sbarrier.arrive $0xFFFF;
	(pc) =	sbr.rel @!p0 .LBB2_5-.Ltmp1, $4  }
0x1a: {  	[hbm:s9], [sflag:s6] =	dma.local [spmem:s11], $0x9E0  }
0x1b: {  	_ =	swait.ge [sflag:s12], $0x9E0  }
0x1c: {  	[sflag:s12] =	ssyncset.done $0x0  }
0x1d: {  	[sflag:s12] =	ssyncadd.s32 $0xFFFFF620  }
.LBB2_1:
0x1e: {  	s5 =	rddreg [dreg:$0x4]  }
0x1f: {  	[spmem:s11], [sflag:s6] =	dma.local [hbm:s5], $0x9E0  }
0x20: {  	_ =	swait.ge [sflag:s12], $0x9E0  }
0x21: {  	[sflag:s12] =	ssyncset.done $0x0  }
0x22: {  	s28 =	rddreg [dreg:$0x5];
	[sflag:s12] =	ssyncadd.s32 $0xFFFFF620  }
0x23: {  	[tilespmem:s3], [sflag:$0x9] =	stream.linear.gather [hbm4b:s28+s3], $0x2800, $0x38;
	[tilespmem:$0x11F00] =	vst v63  }
0x24: {  	_ =	swait.ge [sflag:s12], $0x2800  }
0x25: {  	[sflag:s12] =	ssyncset.done $0x0  }
0x26: {  	s7 =	simm.s32 $0x2800;
	[sflag:s12] =	ssyncadd.s32 $0xFFFFD800  }
0x27: {  	[tilespmem:s7], [sflag:$0x9] =	stream.linear.gather [hbm4b:s8+s3], $0x2800, $0x38;
	[tilespmem:$0x11F00] =	vst v63  }
0x28: {  	_ =	swait.ge [sflag:s12], $0x2800  }
0x29: {  	[sflag:s12] =	ssyncset.done $0x0  }
0x2a: {  	[sflag:s12] =	ssyncadd.s32 $0xFFFFD800  }
0x2b: {  	[bflag:$0x0] =	sbarrier.arrive $0xFFFF  }
0x2c: {  	[tilespmem:s15], [sflag:$0x1] =	stream.indirect.gather [hbm4b:s4+s14], $0x20, s3, s14, $0xb8;
	[tilespmem:$0x11F00] =	vst v63  }
0x2d: {  	s17 =	simm.s32 $0xAF00  }
0x2e: {  	[tilespmem:s17], [sflag:$0x2] =	stream.indirect.gather [hbm4b:s4+s14], $0x20, s14, s14, $0xb8;
	[tilespmem:$0x11F00] =	vst v63  }
0x2f: {  	s19 =	simm.s32 $0x100  }
0x30: {  	[tilespmem:s18], [sflag:$0x3] =	stream.indirect.gather [hbm4b:s4+s14], $0x20, s19, s14, $0xb8;
	[tilespmem:$0x11F00] =	vst v63  }
0x31: {  	s20 =	simm.s32 $0x180;
	s7 =	simm.s32 $0xCF00  }
0x32: {  	[tilespmem:s7], [sflag:$0x4] =	stream.indirect.gather [hbm4b:s4+s14], $0x20, s20, s14, $0xb8;
	[tilespmem:$0x11F00] =	vst v63  }
0x33: {  	s21 =	simm.s32 $0x200  }
0x34: {  	[tilespmem:s22], [sflag:$0x5] =	stream.indirect.gather [hbm4b:s4+s14], $0x20, s21, s14, $0xb8;
	[tilespmem:$0x11F00] =	vst v63  }
0x35: {  	s23 =	simm.s32 $0x280;
	s24 =	simm.s32 $0xEF00  }
0x36: {  	[tilespmem:s24], [sflag:$0x6] =	stream.indirect.gather [hbm4b:s4+s14], $0x20, s23, s14, $0xb8;
	[tilespmem:$0x11F00] =	vst v63  }
0x37: {  	s25 =	simm.s32 $0x300  }
0x38: {  	[tilespmem:s26], [sflag:$0x7] =	stream.indirect.gather [hbm4b:s4+s14], $0x20, s25, s14, $0xb8;
	[tilespmem:$0x11F00] =	vst v63  }
0x39: {  	s28 =	simm.s32 $0x380;
	s17 =	simm.s32 $0x0  }
0x3a: {  	[tilespmem:s29], [sflag:$0x8] =	stream.indirect.gather [hbm4b:s4+s14], $0x20, s28, s14, $0xb8;
	[tilespmem:$0x11F00] =	vst v63  }
.LBB2_2:
0x3b: {  	_ =	swait.ge [sflag:s30], $0x1000  }
0x3c: {  	s19 =	sshra.s32 s17, $0x2;
	[sflag:s30] =	ssyncset.done $0x0  }
0x3d: {  	s20 =	sadd.s32 $0x2800, s19;
	[sflag:s30] =	ssyncadd.s32 $0xFFFFF000  }
0x3e: {  	[spmem:s2] =	stream.indirect.scatter.add.f32 [tilespmem:s15], [sflag:$0x9], $0x20, s20, s14, $0xb8;
	[tilespmem:$0x11F00] =	vst v63  }
0x3f: {  	_ =	swait.ge [sflag:s12], $0x1000  }
0x40: {  	p0 =	seq.s32 s17, $0x9000;
	[sflag:s12] =	ssyncset.done $0x0  }
0x41: {  	s20 =	simm.s32 @p0 $0x2;
	[sflag:s12] =	ssyncadd.s32 $0xFFFFF000  }
0x42: {  	s23 =	sshra.s32 @p0 s17, $0x2;
	_ =	swait.ge @p0 [sflag:s20], $0x1000  }
0x43: {  	s24 =	simm.s32 @p0 $0x80;
	s21 =	simm.s32 @p0 $0xAF00;
	[sflag:s20] =	ssyncset.done @p0 $0x0  }
0x44: {  	s25 =	simm.s32 @p0 $0x9;
	[sflag:s20] =	ssyncadd.s32 @p0 $0xFFFFF000;
	s20 =	sadd.s32 @p0 $0x2880, s23  }
0x45: {  	[spmem:s2] =	stream.indirect.scatter.add.f32 @p0 [tilespmem:s21], [sflag:$0x9], $0x20, s20, s24, $0xb8;
	[tilespmem:$0x11F00] =	vst v63  }
0x46: {  	_ =	swait.ge @p0 [sflag:s25], $0x1000  }
0x47: {  	s5 =	simm.s32 @!p0 $0x9F00;
	s20 =	sshra.s32 @!p0 s17, $0x2;
	[sflag:s25] =	ssyncset.done @p0 $0x0  }
0x48: {  	s21 =	simm.s32 @!p0 $0x80;
	s28 =	sadd.s32 @!p0 $0x400, s20;
	[sflag:s25] =	ssyncadd.s32 @p0 $0xFFFFF000  }
0x49: {  	[tilespmem:s5], [sflag:$0x1] =	stream.indirect.gather @!p0 [hbm4b:s4+s21], $0x20, s28, s21, $0xb8;
	[tilespmem:$0x11F00] =	vst v63  }
0x4a: {  	s5 =	simm.s32 @!p0 $0x2  }
0x4b: {  	_ =	swait.ge @!p0 [sflag:s5], $0x1000  }
0x4c: {  	s7 =	simm.s32 @!p0 $0xAF00;
	[sflag:s5] =	ssyncset.done @!p0 $0x0  }
0x4d: {  	s28 =	simm.s32 @!p0 $0x9;
	[sflag:s5] =	ssyncadd.s32 @!p0 $0xFFFFF000;
	s5 =	sadd.s32 @!p0 $0x2880, s20  }
0x4e: {  	[spmem:s2] =	stream.indirect.scatter.add.f32 @!p0 [tilespmem:s7], [sflag:$0x9], $0x20, s5, s21, $0xb8;
	[tilespmem:$0x11F00] =	vst v63  }
0x4f: {  	_ =	swait.ge @!p0 [sflag:s28], $0x1000  }
0x50: {  	[sflag:s28] =	ssyncset.done @!p0 $0x0  }
0x51: {  	s5 =	sadd.s32 @!p0 $0x480, s20;
	[sflag:s28] =	ssyncadd.s32 @!p0 $0xFFFFF000  }
0x52: {  	[tilespmem:s7], [sflag:$0x2] =	stream.indirect.gather @!p0 [hbm4b:s4+s21], $0x20, s5, s21, $0xb8;
	[tilespmem:$0x11F00] =	vst v63  }
0x53: {  	_ =	swait.ge [sflag:s31], $0x1000  }
0x54: {  	[sflag:s31] =	ssyncset.done $0x0  }
0x55: {  	s7 =	sadd.s32 $0x2900, s19;
	[sflag:s31] =	ssyncadd.s32 $0xFFFFF000  }
0x56: {  	[spmem:s2] =	stream.indirect.scatter.add.f32 [tilespmem:s18], [sflag:$0x9], $0x20, s7, s14, $0xb8;
	[tilespmem:$0x11F00] =	vst v63  }
0x57: {  	_ =	swait.ge [sflag:s12], $0x1000  }
0x58: {  	[sflag:s12] =	ssyncset.done $0x0  }
0x59: {  	s5 =	simm.s32 @p0 $0x4;
	[sflag:s12] =	ssyncadd.s32 $0xFFFFF000  }
0x5a: {  	_ =	swait.ge @p0 [sflag:s5], $0x1000  }
0x5b: {  	[sflag:s5] =	ssyncset.done @p0 $0x0  }
0x5c: {  	s7 =	simm.s32 @p0 $0xCF00;
	[sflag:s5] =	ssyncadd.s32 @p0 $0xFFFFF000;
	s5 =	sadd.s32 @p0 $0x2980, s23  }
0x5d: {  	[spmem:s2] =	stream.indirect.scatter.add.f32 @p0 [tilespmem:s7], [sflag:$0x9], $0x20, s5, s24, $0xb8;
	[tilespmem:$0x11F00] =	vst v63  }
0x5e: {  	_ =	swait.ge @p0 [sflag:s25], $0x1000  }
0x5f: {  	[sflag:s25] =	ssyncset.done @p0 $0x0  }
0x60: {  	s5 =	sadd.s32 @!p0 $0x500, s20;
	s7 =	simm.s32 @!p0 $0xBF00;
	[sflag:s25] =	ssyncadd.s32 @p0 $0xFFFFF000  }
0x61: {  	[tilespmem:s7], [sflag:$0x3] =	stream.indirect.gather @!p0 [hbm4b:s4+s21], $0x20, s5, s21, $0xb8;
	[tilespmem:$0x11F00] =	vst v63  }
0x62: {  	s5 =	simm.s32 @!p0 $0x4  }
0x63: {  	_ =	swait.ge @!p0 [sflag:s5], $0x1000  }
0x64: {  	[sflag:s5] =	ssyncset.done @!p0 $0x0  }
0x65: {  	s7 =	simm.s32 @!p0 $0xCF00;
	[sflag:s5] =	ssyncadd.s32 @!p0 $0xFFFFF000;
	s5 =	sadd.s32 @!p0 $0x2980, s20  }
0x66: {  	[spmem:s2] =	stream.indirect.scatter.add.f32 @!p0 [tilespmem:s7], [sflag:$0x9], $0x20, s5, s21, $0xb8;
	[tilespmem:$0x11F00] =	vst v63  }
0x67: {  	_ =	swait.ge @!p0 [sflag:s28], $0x1000  }
0x68: {  	[sflag:s28] =	ssyncset.done @!p0 $0x0  }
0x69: {  	s5 =	sadd.s32 @!p0 $0x580, s20;
	[sflag:s28] =	ssyncadd.s32 @!p0 $0xFFFFF000  }
0x6a: {  	[tilespmem:s7], [sflag:$0x4] =	stream.indirect.gather @!p0 [hbm4b:s4+s21], $0x20, s5, s21, $0xb8;
	[tilespmem:$0x11F00] =	vst v63  }
0x6b: {  	_ =	swait.ge [sflag:s1], $0x1000  }
0x6c: {  	[sflag:s1] =	ssyncset.done $0x0  }
0x6d: {  	s7 =	sadd.s32 $0x2A00, s19;
	[sflag:s1] =	ssyncadd.s32 $0xFFFFF000  }
0x6e: {  	[spmem:s2] =	stream.indirect.scatter.add.f32 [tilespmem:s22], [sflag:$0x9], $0x20, s7, s14, $0xb8;
	[tilespmem:$0x11F00] =	vst v63  }
0x6f: {  	_ =	swait.ge [sflag:s12], $0x1000  }
0x70: {  	[sflag:s12] =	ssyncset.done $0x0  }
0x71: {  	s5 =	simm.s32 @p0 $0x6;
	[sflag:s12] =	ssyncadd.s32 $0xFFFFF000  }
0x72: {  	_ =	swait.ge @p0 [sflag:s5], $0x1000  }
0x73: {  	[sflag:s5] =	ssyncset.done @p0 $0x0  }
0x74: {  	s7 =	simm.s32 @p0 $0xEF00;
	[sflag:s5] =	ssyncadd.s32 @p0 $0xFFFFF000;
	s5 =	sadd.s32 @p0 $0x2A80, s23  }
0x75: {  	[spmem:s2] =	stream.indirect.scatter.add.f32 @p0 [tilespmem:s7], [sflag:$0x9], $0x20, s5, s24, $0xb8;
	[tilespmem:$0x11F00] =	vst v63  }
0x76: {  	_ =	swait.ge @p0 [sflag:s25], $0x1000  }
0x77: {  	[sflag:s25] =	ssyncset.done @p0 $0x0  }
0x78: {  	s5 =	sadd.s32 @!p0 $0x600, s20;
	s7 =	simm.s32 @!p0 $0xDF00;
	[sflag:s25] =	ssyncadd.s32 @p0 $0xFFFFF000  }
0x79: {  	[tilespmem:s7], [sflag:$0x5] =	stream.indirect.gather @!p0 [hbm4b:s4+s21], $0x20, s5, s21, $0xb8;
	[tilespmem:$0x11F00] =	vst v63  }
0x7a: {  	s5 =	simm.s32 @!p0 $0x6  }
0x7b: {  	_ =	swait.ge @!p0 [sflag:s5], $0x1000  }
0x7c: {  	[sflag:s5] =	ssyncset.done @!p0 $0x0  }
0x7d: {  	s7 =	simm.s32 @!p0 $0xEF00;
	[sflag:s5] =	ssyncadd.s32 @!p0 $0xFFFFF000;
	s5 =	sadd.s32 @!p0 $0x2A80, s20  }
0x7e: {  	[spmem:s2] =	stream.indirect.scatter.add.f32 @!p0 [tilespmem:s7], [sflag:$0x9], $0x20, s5, s21, $0xb8;
	[tilespmem:$0x11F00] =	vst v63  }
0x7f: {  	_ =	swait.ge @!p0 [sflag:s28], $0x1000  }
0x80: {  	[sflag:s28] =	ssyncset.done @!p0 $0x0  }
0x81: {  	s5 =	sadd.s32 @!p0 $0x680, s20;
	[sflag:s28] =	ssyncadd.s32 @!p0 $0xFFFFF000  }
0x82: {  	[tilespmem:s7], [sflag:$0x6] =	stream.indirect.gather @!p0 [hbm4b:s4+s21], $0x20, s5, s21, $0xb8;
	[tilespmem:$0x11F00] =	vst v63  }
0x83: {  	_ =	swait.ge [sflag:s0], $0x1000  }
0x84: {  	[sflag:s0] =	ssyncset.done $0x0  }
.Ltmp2:
0x85: {  	s28 =	sadd.s32 $0x2B00, s19;
	[sflag:s0] =	ssyncadd.s32 $0xFFFFF000;
	(pc) =	sbr.rel @p0 .LBB2_4-.Ltmp2, $4  }
0x86: {  	[spmem:s2] =	stream.indirect.scatter.add.f32 [tilespmem:s26], [sflag:$0x9], $0x20, s28, s14, $0xb8;
	[tilespmem:$0x11F00] =	vst v63  }
0x87: {  	_ =	swait.ge [sflag:s12], $0x1000  }
0x88: {  	[sflag:s12] =	ssyncset.done $0x0  }
0x89: {  	s20 =	sadd.s32 $0x2B80, s19;
	[sflag:s12] =	ssyncadd.s32 $0xFFFFF000  }
0x8a: {  	s5 =	sadd.s32 $0x700, s19  }
0x8b: {  	[tilespmem:s26], [sflag:$0x7] =	stream.indirect.gather [hbm4b:s4+s14], $0x20, s5, s14, $0xb8;
	[tilespmem:$0x11F00] =	vst v63  }
0x8c: {  	_ =	swait.ge [sflag:s13], $0x1000  }
0x8d: {  	[sflag:s13] =	ssyncset.done $0x0  }
0x8e: {  	[sflag:s13] =	ssyncadd.s32 $0xFFFFF000  }
0x8f: {  	[spmem:s2] =	stream.indirect.scatter.add.f32 [tilespmem:s29], [sflag:$0x9], $0x20, s20, s14, $0xb8;
	[tilespmem:$0x11F00] =	vst v63  }
.Ltmp3:
0x90: {  	_ = 	snop;
	(pc) =	sbr.rel .LBB2_2-.Ltmp3, $4  }
0x91: {  	_ =	swait.ge [sflag:s12], $0x1000  }
0x92: {  	[sflag:s12] =	ssyncset.done $0x0  }
0x93: {  	s28 =	sadd.s32 $0x780, s19;
	s17 =	sadd.s32 $0x1000, s17;
	[sflag:s12] =	ssyncadd.s32 $0xFFFFF000  }
0x94: {  	[tilespmem:s29], [sflag:$0x8] =	stream.indirect.gather [hbm4b:s4+s14], $0x20, s28, s14, $0xb8;
	[tilespmem:$0x11F00] =	vst v63  }
.LBB2_5:
0x95: {  	_ =	sfence.sel $0x180000  }
0x96: {  	[bflag:$0x0] =	sbarrier.arrive $0xFFFF  }
0x97: {  	_ =	strace $0x90000047  }
0x98: {  	s0 =	stileid.u32;
	[bflag:$0x2] =	sbarrier.arrive $0xFFFF  }
0x99: {  	p0 =	sne.s32 s0, $0x0;
	s0 =	rddreg [dreg:$0x3]  }
0x9a: {  	s0 =	sadd.s32 @!p0 $0x100000, s0  }
0x9b: {  	[sflag:s0] =	ssyncadd.tile.s32 @!p0 $0x1;
	_ =	shalt  }
.Lfunc_end2:
_tile_overlayer_lowered:
.L_overlay_start_2:
0x9c: {  	(tag) =	ssettag $0x2  }
0x9d: {  	s0 =	rddreg [dreg:$0x0];
	s2 =	stileid.u32  }
0x9e: {  	s1 =	rddreg [dreg:$0x1];
	p0 =	sne.s32 s2, $0x0  }
0x9f: {  	s3 =	rddreg [dreg:$0x2];
	[bflag:$0x3] =	sbarrier.arrive $0xFFFF;
	s2 =	simm.s32 @!p0 $0x1C09  }
0xa0: {  	[timem:s3], [sflag:s2] =	dma.local @!p0 [hbm:s0], s1  }
0xa1: {  	s0 =	simm.s32 @!p0 $0x9  }
0xa2: {  	_ =	swait.ge @!p0 [sflag:s0], s1  }
0xa3: {  	s1 =	ssub.s32 @!p0 $0x0, s1;
	[sflag:s0] =	ssyncset.done @!p0 $0x0  }
0xa4: {  	[sflag:s0] =	ssyncadd.s32 @!p0 s1  }
0xa5: {  	[bflag:$0x3] =	sbarrier.arrive $0xFFFF  }
0xa6: {  	_ =	shalt  }

</sc_bundles>
